<compile_context>
chip_gen: v7x
topology: tpu7x:2x2x1
jax: 0.10.2.dev20260603
libtpu: 0.0.44.dev20260713+nightly
codegen_flags: <defaults>
</compile_context>

<pallas_src>
import functools

import jax
import jax.numpy as jnp
from jax import lax
from jax.experimental import pallas as pl
from jax.experimental.pallas import tpu as pltpu
from jax.experimental.pallas import tpu_sc as plsc


def _make_sc_gather(v, d, b):
    nc, ns = 2, 16
    nw = nc * ns
    b_per_w = b // nw
    chunk = b_per_w // 2
    mesh = plsc.VectorSubcoreMesh(core_axis_name="c", subcore_axis_name="s")

    @functools.partial(
        pl.kernel, mesh=mesh,
        out_type=jax.ShapeDtypeStruct((b, d), jnp.float32),
        scratch_types=[
            pltpu.VMEM((b_per_w,), jnp.int32),
            pltpu.VMEM((b_per_w, d), jnp.float32),
            pltpu.SemaphoreType.DMA,
        ],
    )
    def k(table_hbm, idx_hbm, out_hbm, idx_v, rows_v, sem):
        wid = lax.axis_index("s") * nc + lax.axis_index("c")
        base = wid * b_per_w
        pltpu.sync_copy(idx_hbm.at[pl.ds(base, b_per_w)], idx_v)
        for j in range(2):
            pltpu.async_copy(
                table_hbm.at[idx_v.at[pl.ds(j * chunk, chunk)]],
                rows_v.at[pl.ds(j * chunk, chunk)], sem).wait()
        pltpu.sync_copy(rows_v, out_hbm.at[pl.ds(base, b_per_w)])

    return k


def _mm_nn(a, b):
    return jax.lax.dot_general(a, b, (((1,), (0,)), ((), ())),
                               preferred_element_type=jnp.float32)


def _mm_nt(a, b):
    return jax.lax.dot_general(a, b, (((1,), (1,)), ((), ())),
                               preferred_element_type=jnp.float32)


def _onehot_bf16(idx_col, n):
    cols = jax.lax.broadcasted_iota(jnp.int32, (idx_col.shape[0], n), 1)
    return jnp.where(cols == idx_col, 1.0, 0.0).astype(jnp.bfloat16)


def _group_matrix(f):
    r = jax.lax.broadcasted_iota(jnp.int32, (7 * f, f), 0)
    c = jax.lax.broadcasted_iota(jnp.int32, (7 * f, f), 1)
    u = (r - c * 7).astype(jnp.uint32)
    return jnp.where(u < 7, 1.0, 0.0).astype(jnp.float32)


def _gather7(h, es, m):
    n, f = h.shape
    hi = h.astype(jnp.bfloat16)
    lo = (h - hi.astype(jnp.float32)).astype(jnp.bfloat16)
    hcat = jnp.concatenate([hi, lo], axis=1)
    blocks = []
    for d in range(6):
        g = _mm_nn(es[d][0:m, :], hcat)
        blocks.append(g[:, 0:f] + g[:, f:2 * f])
    blocks.append(h[0:m, :])
    return jnp.concatenate(blocks, axis=1)


def _bn_lrelu(h, g, be):
    mu = jnp.mean(h, axis=0, keepdims=True)
    c = h - mu
    var = jnp.mean(c * c, axis=0, keepdims=True)
    y = c * jax.lax.rsqrt(var + 1e-5) * g + be
    return jnp.where(y >= 0.0, y, 0.2 * y)


def _row(ref):
    return ref[...].reshape(1, -1)


def _body(mat1_ref, w1_ref, b1_ref, g1_ref, be1_ref, w2_hbm, b2_ref, g2_ref,
          be2_ref, w3_hbm, b3_ref, g3_ref, be3_ref, wfc_ref, bfc_ref,
          no_ref, out_ref, w2_v, w3_v, sem2, sem3):
    cp2 = pltpu.make_async_copy(w2_hbm, w2_v, sem2)
    cp3 = pltpu.make_async_copy(w3_hbm, w3_v, sem3)
    cp2.start()
    cp3.start()

    no = no_ref[...]
    no1 = no[0:642, :]
    no2 = no[642:804, :]
    no3 = no[804:846, :]

    es1 = [_onehot_bf16(no1[0:162, d:d + 1], 642) for d in range(6)]
    h = _mm_nt(mat1_ref[...], w1_ref[...]) + _row(b1_ref)
    h = _bn_lrelu(h, _row(g1_ref), _row(be1_ref))
    h = _mm_nn(_gather7(h, es1, 162), _group_matrix(128)) * (1.0 / 7.0)

    cp2.wait()
    es2 = [_onehot_bf16(no2[:, d:d + 1], 162) for d in range(6)]
    h = _mm_nt(_gather7(h, es2, 162), w2_v[...]) + _row(b2_ref)
    h = _bn_lrelu(h, _row(g2_ref), _row(be2_ref))
    h = _mm_nn(_gather7(h, es2, 42), _group_matrix(256)) * (1.0 / 7.0)

    cp3.wait()
    es3 = [_onehot_bf16(no3[:, d:d + 1], 42) for d in range(6)]
    h = _mm_nt(_gather7(h, es3, 42), w3_v[...]) + _row(b3_ref)
    h = _bn_lrelu(h, _row(g3_ref), _row(be3_ref))
    h = _mm_nn(_gather7(h, es3, 12), _group_matrix(512)) * (1.0 / 7.0)

    t = h * wfc_ref[...]
    s = jnp.sum(t) * (1.0 / 12.0) + bfc_ref[0]
    sv = jnp.full((1, 1), s, jnp.float32)
    out_ref[...] = 1.0 / (1.0 + jnp.exp(-sv))


def kernel(x, W1, b1, g1, be1, W2, b2, g2, be2, W3, b3, g3, be3, Wfc, bfc,
           no642, no162, no42):
    noall = jnp.concatenate([no642.astype(jnp.int32), no162.astype(jnp.int32),
                             no42.astype(jnp.int32)]).reshape(846, 7)
    idx_pad = jnp.concatenate([no642.astype(jnp.int32),
                               jnp.zeros((114,), jnp.int32)])
    x_pad = jnp.pad(x, ((0, 0), (0, 96)))
    gath = _make_sc_gather(642, 128, 4608)(x_pad, idx_pad)
    mat1 = gath[0:4494, 0:32].reshape(642, 224)
    vspec = pl.BlockSpec(memory_space=pltpu.VMEM)
    aspec = pl.BlockSpec(memory_space=pltpu.HBM)
    sspec = pl.BlockSpec(memory_space=pltpu.SMEM)
    out = pl.pallas_call(
        _body,
        out_shape=jax.ShapeDtypeStruct((1, 1), jnp.float32),
        in_specs=[vspec, vspec, vspec, vspec, vspec,
                  aspec, vspec, vspec, vspec,
                  aspec, vspec, vspec, vspec,
                  vspec, sspec, vspec],
        out_specs=vspec,
        scratch_shapes=[
            pltpu.VMEM((256, 896), jnp.float32),
            pltpu.VMEM((512, 1792), jnp.float32),
            pltpu.SemaphoreType.DMA,
            pltpu.SemaphoreType.DMA,
        ],
    )(mat1, W1, b1, g1, be1, W2, b2, g2, be2, W3, b3, g3, be3,
      Wfc, bfc.reshape(1), noall)
    return out.reshape(1)

# --- scband reference (transcript-rebuilt; emitter-appended) ---
"""Pipeline reference for scband-d-real-fake-19524921328216 (READ-ONLY COPY).

The authoritative reference and input builder live on the scoring server;
editing this copy changes nothing except your own understanding.
"""

import jax, jax.numpy as jnp
import numpy as np

# Icosahedral mesh hierarchy: 642 -> 162 -> 42 -> 12 vertices.
# neigh_orders_N is a flat int64 array of length N*7: for each vertex, 6 neighbor
# indices followed by the vertex itself (matches get_neighs_order in SphericalUNet).

def _make_neigh_orders(n, seed):
    rng = np.random.RandomState(seed)
    no = np.zeros((n, 7), dtype=np.int64)
    no[:, 0:6] = rng.randint(0, n, size=(n, 6))
    no[:, 6] = np.arange(n)
    return jnp.asarray(no.ravel())

def _linear_init(k, fin, fout):
    k1, k2 = jax.random.split(k)
    bound = 1.0 / np.sqrt(fin)
    W = jax.random.uniform(k1, (fout, fin), minval=-bound, maxval=bound, dtype=jnp.float32)
    b = jax.random.uniform(k2, (fout,), minval=-bound, maxval=bound, dtype=jnp.float32)
    return W, b

def setup_inputs(seed: int = 0):
    key = jax.random.key(seed)
    ks = jax.random.split(key, 8)
    x = jax.random.normal(ks[0], (642, 32), dtype=jnp.float32)
    W1, b1 = _linear_init(ks[1], 7 * 32, 128)
    W2, b2 = _linear_init(ks[2], 7 * 128, 256)
    W3, b3 = _linear_init(ks[3], 7 * 256, 512)
    Wfc, bfc = _linear_init(ks[4], 512, 1)
    return {
        'x': x,
        'W1': W1, 'b1': b1, 'g1': jnp.ones(128, jnp.float32), 'be1': jnp.zeros(128, jnp.float32),
        'W2': W2, 'b2': b2, 'g2': jnp.ones(256, jnp.float32), 'be2': jnp.zeros(256, jnp.float32),
        'W3': W3, 'b3': b3, 'g3': jnp.ones(512, jnp.float32), 'be3': jnp.zeros(512, jnp.float32),
        'Wfc': Wfc, 'bfc': bfc,
        'no642': _make_neigh_orders(642, 1),
        'no162': _make_neigh_orders(162, 2),
        'no42': _make_neigh_orders(42, 3),
    }

def _dine_conv(x, neigh_orders, W, b):
    n = x.shape[0]
    mat = jnp.take(x, neigh_orders, axis=0).reshape(n, 7 * x.shape[1])
    return mat @ W.T + b

def _batchnorm1d(x, gamma, beta, eps=1e-5):
    mu = jnp.mean(x, axis=0)
    var = jnp.var(x, axis=0)  # biased, matches torch BN training-mode normalization
    return (x - mu) / jnp.sqrt(var + eps) * gamma + beta

def _leaky_relu(x):
    return jnp.where(x >= 0, x, 0.2 * x)

def _pool_mean(x, neigh_orders):
    num_nodes = (x.shape[0] + 6) // 4
    feat_num = x.shape[1]
    g = jnp.take(x, neigh_orders[0:num_nodes * 7], axis=0).reshape(num_nodes, feat_num, 7)
    return jnp.mean(g, axis=2)

def reference(x, W1, b1, g1, be1, W2, b2, g2, be2, W3, b3, g3, be3, Wfc, bfc, no642, no162, no42):
    h = _dine_conv(x, no642, W1, b1)          # [642, 128]
    h = _leaky_relu(_batchnorm1d(h, g1, be1))
    h = _pool_mean(h, no642)                  # [162, 128]
    h = _dine_conv(h, no162, W2, b2)          # [162, 256]
    h = _leaky_relu(_batchnorm1d(h, g2, be2))
    h = _pool_mean(h, no162)                  # [42, 256]
    h = _dine_conv(h, no42, W3, b3)           # [42, 512]
    h = _leaky_relu(_batchnorm1d(h, g3, be3))
    h = _pool_mean(h, no42)                   # [12, 512]
    v = jnp.mean(h, axis=0)                   # [512]
    out = jax.nn.sigmoid(v @ Wfc.T + bfc)     # [1]
    return out

if __name__ == "__main__":
    import jax
    _d = setup_inputs()
    print(jax.jit(kernel)(*tuple(_d.values())))

</pallas_src>

<mosaic_0001>
#map = affine_map<(d0, d1) -> (0, 0)>
#map1 = affine_map<(d0, d1) -> (0)>
module attributes {stable_mosaic.version = 14 : i64} {
  func.func @k(%arg0: i32, %arg1: i32, %arg2: memref<642x128xf32, #tpu.memory_space<hbm>>, %arg3: memref<4608xi32, #tpu.memory_space<hbm>>, %arg4: memref<4608x128xf32, #tpu.memory_space<hbm>>, %arg5: memref<144xi32, #tpu.memory_space<vmem>>, %arg6: memref<144x128xf32, #tpu.memory_space<vmem>>, %arg7: memref<!tpu.dma_semaphore, #tpu.memory_space<semaphore_mem>>) attributes {dimension_semantics = [#tpu.dimension_semantics<core_parallel>, #tpu.dimension_semantics<subcore_parallel>], iteration_bounds = array<i64: 2, 16>, scalar_prefetch = 0 : i64, scratch_operands = 3 : i64, tpu.core_type = #tpu.core_type<sc_vector_subcore>, window_params = [{transform_indices = #map}, {transform_indices = #map1}, {transform_indices = #map}]} {
    %mul3A = arith.constant 2 : i32
    %mul3A_0 = arith.muli %arg1, %mul3A : i32
    %add3A = arith.addi %mul3A_0, %arg0 : i32
    %mul3A_1 = arith.constant 144 : i32
    %mul3A_2 = arith.muli %add3A, %mul3A_1 : i32
    "tpu.region"() ({
      %run_scoped3A = tpu.sem_alloc : memref<!tpu.dma_semaphore, #tpu.memory_space<semaphore_mem>>
      %dma_start3A_33 = tpu.memref_slice %arg3[%mul3A_2] : memref<4608xi32, #tpu.memory_space<hbm>> -> memref<144xi32, #tpu.memory_space<hbm>>
      %dma_start3A_34 = tpu.memref_slice %arg3[%mul3A_2] : memref<4608xi32, #tpu.memory_space<hbm>> -> memref<144xi32, #tpu.memory_space<hbm>>
      tpu.enqueue_dma source(%dma_start3A_34 : memref<144xi32, #tpu.memory_space<hbm>>) target(%arg5 : memref<144xi32, #tpu.memory_space<vmem>>) target_semaphore(%run_scoped3A : memref<!tpu.dma_semaphore, #tpu.memory_space<semaphore_mem>>)
      %dma_wait3A_35 = tpu.memref_slice %arg3[%mul3A_2] : memref<4608xi32, #tpu.memory_space<hbm>> -> memref<144xi32, #tpu.memory_space<hbm>>
      %dma_wait3A_36 = tpu.memref_slice %arg3[%mul3A_2] : memref<4608xi32, #tpu.memory_space<hbm>> -> memref<144xi32, #tpu.memory_space<hbm>>
      tpu.wait_dma2 semaphore(%run_scoped3A : memref<!tpu.dma_semaphore, #tpu.memory_space<semaphore_mem>>) src(%dma_wait3A_36 : memref<144xi32, #tpu.memory_space<hbm>>) dst(%arg5 : memref<144xi32, #tpu.memory_space<vmem>>)
      tpu.yield
    }) : () -> ()
    %dma_start3A = arith.constant 0 : i32
    %dma_start3A_3 = arith.constant 0 : i32
    %dma_start3A_4 = tpu.memref_slice %arg6[%dma_start3A, %dma_start3A_3] : memref<144x128xf32, #tpu.memory_space<vmem>> -> memref<72x128xf32, #tpu.memory_space<vmem>>
    %dma_start3A_5 = arith.constant 0 : i32
    %dma_start3A_6 = tpu.memref_slice %arg5[%dma_start3A_5] : memref<144xi32, #tpu.memory_space<vmem>> -> memref<72xi32, #tpu.memory_space<vmem>>
    %dma_start3A_7 = arith.constant 0 : i32
    %dma_start3A_8 = arith.constant 0 : i32
    %dma_start3A_9 = tpu.memref_slice %arg2[%dma_start3A_7, %dma_start3A_8] : memref<642x128xf32, #tpu.memory_space<hbm>> -> memref<642x128xf32, #tpu.memory_space<hbm>>
    tpu.enqueue_indirect_dma source(%dma_start3A_9 : memref<642x128xf32, #tpu.memory_space<hbm>>) target(%dma_start3A_4 : memref<72x128xf32, #tpu.memory_space<vmem>>) offsets(%dma_start3A_6 : memref<72xi32, #tpu.memory_space<vmem>>) semaphore(%arg7 : memref<!tpu.dma_semaphore, #tpu.memory_space<semaphore_mem>>)
    %dma_wait3A = arith.constant 0 : i32
    %dma_wait3A_10 = arith.constant 0 : i32
    %dma_wait3A_11 = tpu.memref_slice %arg6[%dma_wait3A, %dma_wait3A_10] : memref<144x128xf32, #tpu.memory_space<vmem>> -> memref<72x128xf32, #tpu.memory_space<vmem>>
    %dma_wait3A_12 = arith.constant 0 : i32
    %dma_wait3A_13 = tpu.memref_slice %arg5[%dma_wait3A_12] : memref<144xi32, #tpu.memory_space<vmem>> -> memref<72xi32, #tpu.memory_space<vmem>>
    %dma_wait3A_14 = arith.constant 0 : i32
    %dma_wait3A_15 = arith.constant 0 : i32
    %dma_wait3A_16 = tpu.memref_slice %arg2[%dma_wait3A_14, %dma_wait3A_15] : memref<642x128xf32, #tpu.memory_space<hbm>> -> memref<642x128xf32, #tpu.memory_space<hbm>>
    tpu.wait_indirect_dma semaphore(%arg7 : memref<!tpu.dma_semaphore, #tpu.memory_space<semaphore_mem>>) src(%dma_wait3A_16 : memref<642x128xf32, #tpu.memory_space<hbm>>) dst(%dma_wait3A_11 : memref<72x128xf32, #tpu.memory_space<vmem>>)
    %dma_start3A_17 = arith.constant 72 : i32
    %dma_start3A_18 = arith.constant 0 : i32
    %dma_start3A_19 = tpu.memref_slice %arg6[%dma_start3A_17, %dma_start3A_18] : memref<144x128xf32, #tpu.memory_space<vmem>> -> memref<72x128xf32, #tpu.memory_space<vmem>>
    %dma_start3A_20 = arith.constant 72 : i32
    %dma_start3A_21 = tpu.memref_slice %arg5[%dma_start3A_20] : memref<144xi32, #tpu.memory_space<vmem>> -> memref<72xi32, #tpu.memory_space<vmem>>
    %dma_start3A_22 = arith.constant 0 : i32
    %dma_start3A_23 = arith.constant 0 : i32
    %dma_start3A_24 = tpu.memref_slice %arg2[%dma_start3A_22, %dma_start3A_23] : memref<642x128xf32, #tpu.memory_space<hbm>> -> memref<642x128xf32, #tpu.memory_space<hbm>>
    tpu.enqueue_indirect_dma source(%dma_start3A_24 : memref<642x128xf32, #tpu.memory_space<hbm>>) target(%dma_start3A_19 : memref<72x128xf32, #tpu.memory_space<vmem>>) offsets(%dma_start3A_21 : memref<72xi32, #tpu.memory_space<vmem>>) semaphore(%arg7 : memref<!tpu.dma_semaphore, #tpu.memory_space<semaphore_mem>>)
    %dma_wait3A_25 = arith.constant 72 : i32
    %dma_wait3A_26 = arith.constant 0 : i32
    %dma_wait3A_27 = tpu.memref_slice %arg6[%dma_wait3A_25, %dma_wait3A_26] : memref<144x128xf32, #tpu.memory_space<vmem>> -> memref<72x128xf32, #tpu.memory_space<vmem>>
    %dma_wait3A_28 = arith.constant 72 : i32
    %dma_wait3A_29 = tpu.memref_slice %arg5[%dma_wait3A_28] : memref<144xi32, #tpu.memory_space<vmem>> -> memref<72xi32, #tpu.memory_space<vmem>>
    %dma_wait3A_30 = arith.constant 0 : i32
    %dma_wait3A_31 = arith.constant 0 : i32
    %dma_wait3A_32 = tpu.memref_slice %arg2[%dma_wait3A_30, %dma_wait3A_31] : memref<642x128xf32, #tpu.memory_space<hbm>> -> memref<642x128xf32, #tpu.memory_space<hbm>>
    tpu.wait_indirect_dma semaphore(%arg7 : memref<!tpu.dma_semaphore, #tpu.memory_space<semaphore_mem>>) src(%dma_wait3A_32 : memref<642x128xf32, #tpu.memory_space<hbm>>) dst(%dma_wait3A_27 : memref<72x128xf32, #tpu.memory_space<vmem>>)
    "tpu.region"() ({
      %run_scoped3A = tpu.sem_alloc : memref<!tpu.dma_semaphore, #tpu.memory_space<semaphore_mem>>
      %dma_start3A_33 = arith.constant 0 : i32
      %dma_start3A_34 = tpu.memref_slice %arg4[%mul3A_2, %dma_start3A_33] : memref<4608x128xf32, #tpu.memory_space<hbm>> -> memref<144x128xf32, #tpu.memory_space<hbm>>
      %dma_start3A_35 = arith.constant 0 : i32
      %dma_start3A_36 = tpu.memref_slice %arg4[%mul3A_2, %dma_start3A_35] : memref<4608x128xf32, #tpu.memory_space<hbm>> -> memref<144x128xf32, #tpu.memory_space<hbm>>
      tpu.enqueue_dma source(%arg6 : memref<144x128xf32, #tpu.memory_space<vmem>>) target(%dma_start3A_36 : memref<144x128xf32, #tpu.memory_space<hbm>>) target_semaphore(%run_scoped3A : memref<!tpu.dma_semaphore, #tpu.memory_space<semaphore_mem>>)
      %dma_wait3A_37 = arith.constant 0 : i32
      %dma_wait3A_38 = tpu.memref_slice %arg4[%mul3A_2, %dma_wait3A_37] : memref<4608x128xf32, #tpu.memory_space<hbm>> -> memref<144x128xf32, #tpu.memory_space<hbm>>
      %dma_wait3A_39 = arith.constant 0 : i32
      %dma_wait3A_40 = tpu.memref_slice %arg4[%mul3A_2, %dma_wait3A_39] : memref<4608x128xf32, #tpu.memory_space<hbm>> -> memref<144x128xf32, #tpu.memory_space<hbm>>
      tpu.wait_dma2 semaphore(%run_scoped3A : memref<!tpu.dma_semaphore, #tpu.memory_space<semaphore_mem>>) src(%arg6 : memref<144x128xf32, #tpu.memory_space<vmem>>) dst(%dma_wait3A_40 : memref<144x128xf32, #tpu.memory_space<hbm>>)
      tpu.yield
    }) : () -> ()
    return
  }
}

module attributes {stable_mosaic.version = 14 : i64} {
  func.func @_body(%arg0: memref<642x224xf32, #tpu.memory_space<vmem>>, %arg1: memref<128x224xf32, #tpu.memory_space<vmem>>, %arg2: memref<128xf32, #tpu.memory_space<vmem>>, %arg3: memref<128xf32, #tpu.memory_space<vmem>>, %arg4: memref<128xf32, #tpu.memory_space<vmem>>, %arg5: memref<256x896xf32, #tpu.memory_space<hbm>>, %arg6: memref<256xf32, #tpu.memory_space<vmem>>, %arg7: memref<256xf32, #tpu.memory_space<vmem>>, %arg8: memref<256xf32, #tpu.memory_space<vmem>>, %arg9: memref<512x1792xf32, #tpu.memory_space<hbm>>, %arg10: memref<512xf32, #tpu.memory_space<vmem>>, %arg11: memref<512xf32, #tpu.memory_space<vmem>>, %arg12: memref<512xf32, #tpu.memory_space<vmem>>, %arg13: memref<1x512xf32, #tpu.memory_space<vmem>>, %arg14: memref<1xf32, #tpu.memory_space<smem>>, %arg15: memref<846x7xi32, #tpu.memory_space<vmem>>, %arg16: memref<1x1xf32, #tpu.memory_space<vmem>>, %arg17: memref<256x896xf32, #tpu.memory_space<vmem>>, %arg18: memref<512x1792xf32, #tpu.memory_space<vmem>>, %arg19: memref<!tpu.dma_semaphore, #tpu.memory_space<semaphore_mem>>, %arg20: memref<!tpu.dma_semaphore, #tpu.memory_space<semaphore_mem>>) attributes {dimension_semantics = [], scalar_prefetch = 0 : i64, scratch_operands = 4 : i64, tpu.core_type = #tpu.core_type<tc>} {
    tpu.enqueue_dma source(%arg5 : memref<256x896xf32, #tpu.memory_space<hbm>>) target(%arg17 : memref<256x896xf32, #tpu.memory_space<vmem>>) target_semaphore(%arg19 : memref<!tpu.dma_semaphore, #tpu.memory_space<semaphore_mem>>)
    tpu.enqueue_dma source(%arg9 : memref<512x1792xf32, #tpu.memory_space<hbm>>) target(%arg18 : memref<512x1792xf32, #tpu.memory_space<vmem>>) target_semaphore(%arg20 : memref<!tpu.dma_semaphore, #tpu.memory_space<semaphore_mem>>)
    %get3A = arith.constant 0 : index
    %get3A_0 = arith.constant 0 : index
    %get3A_1 = vector.load %arg15[%get3A, %get3A_0] : memref<846x7xi32, #tpu.memory_space<vmem>>, vector<846x7xi32>
    %slice3A = vector.extract_strided_slice %get3A_1 {offsets = [0, 0], sizes = [642, 7], strides = [1, 1]} : vector<846x7xi32> to vector<642x7xi32>
    %slice3A_2 = vector.extract_strided_slice %get3A_1 {offsets = [642, 0], sizes = [162, 7], strides = [1, 1]} : vector<846x7xi32> to vector<162x7xi32>
    %slice3A_3 = vector.extract_strided_slice %get3A_1 {offsets = [804, 0], sizes = [42, 7], strides = [1, 1]} : vector<846x7xi32> to vector<42x7xi32>
    %slice3A_4 = vector.extract_strided_slice %slice3A {offsets = [0, 0], sizes = [162, 1], strides = [1, 1]} : vector<642x7xi32> to vector<162x1xi32>
    %iota3A = tpu.iota {dimensions = array<i32: 1>} : vector<162x642xi32>
    %eq3A = vector.broadcast %slice3A_4 : vector<162x1xi32> to vector<162x642xi32>
    %eq3A_5 = arith.cmpi eq, %iota3A, %eq3A : vector<162x642xi32>
    %jit3A = arith.constant 1.000000e+00 : f32
    %jit3A_6 = arith.constant 0.000000e+00 : f32
    %broadcast_in_dim3A = vector.broadcast %jit3A : f32 to vector<162x642xf32>
    %broadcast_in_dim3A_7 = vector.broadcast %jit3A_6 : f32 to vector<162x642xf32>
    %select_n3A = arith.select %eq3A_5, %broadcast_in_dim3A, %broadcast_in_dim3A_7 : vector<162x642xi1>, vector<162x642xf32>
    %convert_element_type3A = arith.truncf %select_n3A : vector<162x642xf32> to vector<162x642xbf16>
    %slice3A_8 = vector.extract_strided_slice %slice3A {offsets = [0, 1], sizes = [162, 1], strides = [1, 1]} : vector<642x7xi32> to vector<162x1xi32>
    %iota3A_9 = tpu.iota {dimensions = array<i32: 1>} : vector<162x642xi32>
    %eq3A_10 = vector.broadcast %slice3A_8 : vector<162x1xi32> to vector<162x642xi32>
    %eq3A_11 = arith.cmpi eq, %iota3A_9, %eq3A_10 : vector<162x642xi32>
    %jit3A_12 = arith.constant 1.000000e+00 : f32
    %jit3A_13 = arith.constant 0.000000e+00 : f32
    %broadcast_in_dim3A_14 = vector.broadcast %jit3A_12 : f32 to vector<162x642xf32>
    %broadcast_in_dim3A_15 = vector.broadcast %jit3A_13 : f32 to vector<162x642xf32>
    %select_n3A_16 = arith.select %eq3A_11, %broadcast_in_dim3A_14, %broadcast_in_dim3A_15 : vector<162x642xi1>, vector<162x642xf32>
    %convert_element_type3A_17 = arith.truncf %select_n3A_16 : vector<162x642xf32> to vector<162x642xbf16>
    %slice3A_18 = vector.extract_strided_slice %slice3A {offsets = [0, 2], sizes = [162, 1], strides = [1, 1]} : vector<642x7xi32> to vector<162x1xi32>
    %iota3A_19 = tpu.iota {dimensions = array<i32: 1>} : vector<162x642xi32>
    %eq3A_20 = vector.broadcast %slice3A_18 : vector<162x1xi32> to vector<162x642xi32>
    %eq3A_21 = arith.cmpi eq, %iota3A_19, %eq3A_20 : vector<162x642xi32>
    %jit3A_22 = arith.constant 1.000000e+00 : f32
    %jit3A_23 = arith.constant 0.000000e+00 : f32
    %broadcast_in_dim3A_24 = vector.broadcast %jit3A_22 : f32 to vector<162x642xf32>
    %broadcast_in_dim3A_25 = vector.broadcast %jit3A_23 : f32 to vector<162x642xf32>
    %select_n3A_26 = arith.select %eq3A_21, %broadcast_in_dim3A_24, %broadcast_in_dim3A_25 : vector<162x642xi1>, vector<162x642xf32>
    %convert_element_type3A_27 = arith.truncf %select_n3A_26 : vector<162x642xf32> to vector<162x642xbf16>
    %slice3A_28 = vector.extract_strided_slice %slice3A {offsets = [0, 3], sizes = [162, 1], strides = [1, 1]} : vector<642x7xi32> to vector<162x1xi32>
    %iota3A_29 = tpu.iota {dimensions = array<i32: 1>} : vector<162x642xi32>
    %eq3A_30 = vector.broadcast %slice3A_28 : vector<162x1xi32> to vector<162x642xi32>
    %eq3A_31 = arith.cmpi eq, %iota3A_29, %eq3A_30 : vector<162x642xi32>
    %jit3A_32 = arith.constant 1.000000e+00 : f32
    %jit3A_33 = arith.constant 0.000000e+00 : f32
    %broadcast_in_dim3A_34 = vector.broadcast %jit3A_32 : f32 to vector<162x642xf32>
    %broadcast_in_dim3A_35 = vector.broadcast %jit3A_33 : f32 to vector<162x642xf32>
    %select_n3A_36 = arith.select %eq3A_31, %broadcast_in_dim3A_34, %broadcast_in_dim3A_35 : vector<162x642xi1>, vector<162x642xf32>
    %convert_element_type3A_37 = arith.truncf %select_n3A_36 : vector<162x642xf32> to vector<162x642xbf16>
    %slice3A_38 = vector.extract_strided_slice %slice3A {offsets = [0, 4], sizes = [162, 1], strides = [1, 1]} : vector<642x7xi32> to vector<162x1xi32>
    %iota3A_39 = tpu.iota {dimensions = array<i32: 1>} : vector<162x642xi32>
    %eq3A_40 = vector.broadcast %slice3A_38 : vector<162x1xi32> to vector<162x642xi32>
    %eq3A_41 = arith.cmpi eq, %iota3A_39, %eq3A_40 : vector<162x642xi32>
    %jit3A_42 = arith.constant 1.000000e+00 : f32
    %jit3A_43 = arith.constant 0.000000e+00 : f32
    %broadcast_in_dim3A_44 = vector.broadcast %jit3A_42 : f32 to vector<162x642xf32>
    %broadcast_in_dim3A_45 = vector.broadcast %jit3A_43 : f32 to vector<162x642xf32>
    %select_n3A_46 = arith.select %eq3A_41, %broadcast_in_dim3A_44, %broadcast_in_dim3A_45 : vector<162x642xi1>, vector<162x642xf32>
    %convert_element_type3A_47 = arith.truncf %select_n3A_46 : vector<162x642xf32> to vector<162x642xbf16>
    %slice3A_48 = vector.extract_strided_slice %slice3A {offsets = [0, 5], sizes = [162, 1], strides = [1, 1]} : vector<642x7xi32> to vector<162x1xi32>
    %iota3A_49 = tpu.iota {dimensions = array<i32: 1>} : vector<162x642xi32>
    %eq3A_50 = vector.broadcast %slice3A_48 : vector<162x1xi32> to vector<162x642xi32>
    %eq3A_51 = arith.cmpi eq, %iota3A_49, %eq3A_50 : vector<162x642xi32>
    %jit3A_52 = arith.constant 1.000000e+00 : f32
    %jit3A_53 = arith.constant 0.000000e+00 : f32
    %broadcast_in_dim3A_54 = vector.broadcast %jit3A_52 : f32 to vector<162x642xf32>
    %broadcast_in_dim3A_55 = vector.broadcast %jit3A_53 : f32 to vector<162x642xf32>
    %select_n3A_56 = arith.select %eq3A_51, %broadcast_in_dim3A_54, %broadcast_in_dim3A_55 : vector<162x642xi1>, vector<162x642xf32>
    %convert_element_type3A_57 = arith.truncf %select_n3A_56 : vector<162x642xf32> to vector<162x642xbf16>
    %get3A_58 = arith.constant 0 : index
    %get3A_59 = arith.constant 0 : index
    %get3A_60 = vector.load %arg0[%get3A_58, %get3A_59] : memref<642x224xf32, #tpu.memory_space<vmem>>, vector<642x224xf32>
    %get3A_61 = arith.constant 0 : index
    %get3A_62 = arith.constant 0 : index
    %get3A_63 = vector.load %arg1[%get3A_61, %get3A_62] : memref<128x224xf32, #tpu.memory_space<vmem>>, vector<128x224xf32>
    %dot_general3A = arith.constant dense<0.000000e+00> : vector<642x128xf32>
    %dot_general3A_64 = tpu.matmul %get3A_60, %get3A_63, %dot_general3A {dimension_numbers = #tpu.dot_dimension_numbers<[1], [1], [0], [0], [0, 0, 1, 0], [], []>, transpose_lhs_hint = false} : vector<642x224xf32>, vector<128x224xf32>, vector<642x128xf32> -> vector<642x128xf32>
    %get3A_65 = arith.constant 0 : index
    %get3A_66 = vector.load %arg2[%get3A_65] : memref<128xf32, #tpu.memory_space<vmem>>, vector<128xf32>
    %reshape3A = vector.shape_cast %get3A_66 : vector<128xf32> to vector<1x128xf32>
    %add3A = vector.broadcast %reshape3A : vector<1x128xf32> to vector<642x128xf32>
    %add3A_67 = arith.addf %dot_general3A_64, %add3A : vector<642x128xf32>
    %get3A_68 = arith.constant 0 : index
    %get3A_69 = vector.load %arg3[%get3A_68] : memref<128xf32, #tpu.memory_space<vmem>>, vector<128xf32>
    %reshape3A_70 = vector.shape_cast %get3A_69 : vector<128xf32> to vector<1x128xf32>
    %get3A_71 = arith.constant 0 : index
    %get3A_72 = vector.load %arg4[%get3A_71] : memref<128xf32, #tpu.memory_space<vmem>>, vector<128xf32>
    %reshape3A_73 = vector.shape_cast %get3A_72 : vector<128xf32> to vector<1x128xf32>
    %reduce_sum3A = arith.constant dense<0.000000e+00> : vector<128xf32>
    %reduce_sum3A_74 = vector.multi_reduction <add>, %add3A_67, %reduce_sum3A [0] : vector<642x128xf32> to vector<128xf32>
    %broadcast_in_dim3A_75 = vector.shape_cast %reduce_sum3A_74 : vector<128xf32> to vector<1x128xf32>
    %div3A = arith.constant 6.420000e+02 : f32
    %div3A_76 = vector.broadcast %div3A : f32 to vector<1x128xf32>
    %div3A_77 = arith.divf %broadcast_in_dim3A_75, %div3A_76 : vector<1x128xf32>
    %sub3A = vector.broadcast %div3A_77 : vector<1x128xf32> to vector<642x128xf32>
    %sub3A_78 = arith.subf %add3A_67, %sub3A : vector<642x128xf32>
    %mul3A = arith.mulf %sub3A_78, %sub3A_78 : vector<642x128xf32>
    %reduce_sum3A_79 = arith.constant dense<0.000000e+00> : vector<128xf32>
    %reduce_sum3A_80 = vector.multi_reduction <add>, %mul3A, %reduce_sum3A_79 [0] : vector<642x128xf32> to vector<128xf32>
    %broadcast_in_dim3A_81 = vector.shape_cast %reduce_sum3A_80 : vector<128xf32> to vector<1x128xf32>
    %div3A_82 = arith.constant 6.420000e+02 : f32
    %div3A_83 = vector.broadcast %div3A_82 : f32 to vector<1x128xf32>
    %div3A_84 = arith.divf %broadcast_in_dim3A_81, %div3A_83 : vector<1x128xf32>
    %add3A_85 = arith.constant 9.99999974E-6 : f32
    %add3A_86 = vector.broadcast %add3A_85 : f32 to vector<1x128xf32>
    %add3A_87 = arith.addf %div3A_84, %add3A_86 : vector<1x128xf32>
    %rsqrt3A = math.rsqrt %add3A_87 : vector<1x128xf32>
    %mul3A_88 = vector.broadcast %rsqrt3A : vector<1x128xf32> to vector<642x128xf32>
    %mul3A_89 = arith.mulf %sub3A_78, %mul3A_88 : vector<642x128xf32>
    %mul3A_90 = vector.broadcast %reshape3A_70 : vector<1x128xf32> to vector<642x128xf32>
    %mul3A_91 = arith.mulf %mul3A_89, %mul3A_90 : vector<642x128xf32>
    %add3A_92 = vector.broadcast %reshape3A_73 : vector<1x128xf32> to vector<642x128xf32>
    %add3A_93 = arith.addf %mul3A_91, %add3A_92 : vector<642x128xf32>
    %ge3A = arith.constant 0.000000e+00 : f32
    %ge3A_94 = vector.broadcast %ge3A : f32 to vector<642x128xf32>
    %ge3A_95 = arith.cmpf oge, %add3A_93, %ge3A_94 : vector<642x128xf32>
    %mul3A_96 = arith.constant 2.000000e-01 : f32
    %mul3A_97 = vector.broadcast %mul3A_96 : f32 to vector<642x128xf32>
    %mul3A_98 = arith.mulf %mul3A_97, %add3A_93 : vector<642x128xf32>
    %select_n3A_99 = arith.select %ge3A_95, %add3A_93, %mul3A_98 : vector<642x128xi1>, vector<642x128xf32>
    %convert_element_type3A_100 = arith.truncf %select_n3A_99 : vector<642x128xf32> to vector<642x128xbf16>
    %convert_element_type3A_101 = arith.extf %convert_element_type3A_100 : vector<642x128xbf16> to vector<642x128xf32>
    %sub3A_102 = arith.subf %select_n3A_99, %convert_element_type3A_101 : vector<642x128xf32>
    %convert_element_type3A_103 = arith.truncf %sub3A_102 : vector<642x128xf32> to vector<642x128xbf16>
    %concatenate3A = tpu.concatenate %convert_element_type3A_100, %convert_element_type3A_103 in 1 : vector<642x128xbf16>, vector<642x128xbf16> -> vector<642x256xbf16>
    %dot_general3A_104 = arith.constant dense<0.000000e+00> : vector<162x256xf32>
    %dot_general3A_105 = tpu.matmul %convert_element_type3A, %concatenate3A, %dot_general3A_104 {dimension_numbers = #tpu.dot_dimension_numbers<[1], [0], [0], [1], [0, 0, 1, 1], [], []>, transpose_lhs_hint = false} : vector<162x642xbf16>, vector<642x256xbf16>, vector<162x256xf32> -> vector<162x256xf32>
    %slice3A_106 = vector.extract_strided_slice %dot_general3A_105 {offsets = [0, 0], sizes = [162, 128], strides = [1, 1]} : vector<162x256xf32> to vector<162x128xf32>
    %slice3A_107 = vector.extract_strided_slice %dot_general3A_105 {offsets = [0, 128], sizes = [162, 128], strides = [1, 1]} : vector<162x256xf32> to vector<162x128xf32>
    %add3A_108 = arith.addf %slice3A_106, %slice3A_107 : vector<162x128xf32>
    %dot_general3A_109 = arith.constant dense<0.000000e+00> : vector<162x256xf32>
    %dot_general3A_110 = tpu.matmul %convert_element_type3A_17, %concatenate3A, %dot_general3A_109 {dimension_numbers = #tpu.dot_dimension_numbers<[1], [0], [0], [1], [0, 0, 1, 1], [], []>, transpose_lhs_hint = false} : vector<162x642xbf16>, vector<642x256xbf16>, vector<162x256xf32> -> vector<162x256xf32>
    %slice3A_111 = vector.extract_strided_slice %dot_general3A_110 {offsets = [0, 0], sizes = [162, 128], strides = [1, 1]} : vector<162x256xf32> to vector<162x128xf32>
    %slice3A_112 = vector.extract_strided_slice %dot_general3A_110 {offsets = [0, 128], sizes = [162, 128], strides = [1, 1]} : vector<162x256xf32> to vector<162x128xf32>
    %add3A_113 = arith.addf %slice3A_111, %slice3A_112 : vector<162x128xf32>
    %dot_general3A_114 = arith.constant dense<0.000000e+00> : vector<162x256xf32>
    %dot_general3A_115 = tpu.matmul %convert_element_type3A_27, %concatenate3A, %dot_general3A_114 {dimension_numbers = #tpu.dot_dimension_numbers<[1], [0], [0], [1], [0, 0, 1, 1], [], []>, transpose_lhs_hint = false} : vector<162x642xbf16>, vector<642x256xbf16>, vector<162x256xf32> -> vector<162x256xf32>
    %slice3A_116 = vector.extract_strided_slice %dot_general3A_115 {offsets = [0, 0], sizes = [162, 128], strides = [1, 1]} : vector<162x256xf32> to vector<162x128xf32>
    %slice3A_117 = vector.extract_strided_slice %dot_general3A_115 {offsets = [0, 128], sizes = [162, 128], strides = [1, 1]} : vector<162x256xf32> to vector<162x128xf32>
    %add3A_118 = arith.addf %slice3A_116, %slice3A_117 : vector<162x128xf32>
    %dot_general3A_119 = arith.constant dense<0.000000e+00> : vector<162x256xf32>
    %dot_general3A_120 = tpu.matmul %convert_element_type3A_37, %concatenate3A, %dot_general3A_119 {dimension_numbers = #tpu.dot_dimension_numbers<[1], [0], [0], [1], [0, 0, 1, 1], [], []>, transpose_lhs_hint = false} : vector<162x642xbf16>, vector<642x256xbf16>, vector<162x256xf32> -> vector<162x256xf32>
    %slice3A_121 = vector.extract_strided_slice %dot_general3A_120 {offsets = [0, 0], sizes = [162, 128], strides = [1, 1]} : vector<162x256xf32> to vector<162x128xf32>
    %slice3A_122 = vector.extract_strided_slice %dot_general3A_120 {offsets = [0, 128], sizes = [162, 128], strides = [1, 1]} : vector<162x256xf32> to vector<162x128xf32>
    %add3A_123 = arith.addf %slice3A_121, %slice3A_122 : vector<162x128xf32>
    %dot_general3A_124 = arith.constant dense<0.000000e+00> : vector<162x256xf32>
    %dot_general3A_125 = tpu.matmul %convert_element_type3A_47, %concatenate3A, %dot_general3A_124 {dimension_numbers = #tpu.dot_dimension_numbers<[1], [0], [0], [1], [0, 0, 1, 1], [], []>, transpose_lhs_hint = false} : vector<162x642xbf16>, vector<642x256xbf16>, vector<162x256xf32> -> vector<162x256xf32>
    %slice3A_126 = vector.extract_strided_slice %dot_general3A_125 {offsets = [0, 0], sizes = [162, 128], strides = [1, 1]} : vector<162x256xf32> to vector<162x128xf32>
    %slice3A_127 = vector.extract_strided_slice %dot_general3A_125 {offsets = [0, 128], sizes = [162, 128], strides = [1, 1]} : vector<162x256xf32> to vector<162x128xf32>
    %add3A_128 = arith.addf %slice3A_126, %slice3A_127 : vector<162x128xf32>
    %dot_general3A_129 = arith.constant dense<0.000000e+00> : vector<162x256xf32>
    %dot_general3A_130 = tpu.matmul %convert_element_type3A_57, %concatenate3A, %dot_general3A_129 {dimension_numbers = #tpu.dot_dimension_numbers<[1], [0], [0], [1], [0, 0, 1, 1], [], []>, transpose_lhs_hint = false} : vector<162x642xbf16>, vector<642x256xbf16>, vector<162x256xf32> -> vector<162x256xf32>
    %slice3A_131 = vector.extract_strided_slice %dot_general3A_130 {offsets = [0, 0], sizes = [162, 128], strides = [1, 1]} : vector<162x256xf32> to vector<162x128xf32>
    %slice3A_132 = vector.extract_strided_slice %dot_general3A_130 {offsets = [0, 128], sizes = [162, 128], strides = [1, 1]} : vector<162x256xf32> to vector<162x128xf32>
    %add3A_133 = arith.addf %slice3A_131, %slice3A_132 : vector<162x128xf32>
    %slice3A_134 = vector.extract_strided_slice %select_n3A_99 {offsets = [0, 0], sizes = [162, 128], strides = [1, 1]} : vector<642x128xf32> to vector<162x128xf32>
    %concatenate3A_135 = tpu.concatenate %add3A_108, %add3A_113, %add3A_118, %add3A_123, %add3A_128, %add3A_133, %slice3A_134 in 1 : vector<162x128xf32>, vector<162x128xf32>, vector<162x128xf32>, vector<162x128xf32>, vector<162x128xf32>, vector<162x128xf32>, vector<162x128xf32> -> vector<162x896xf32>
    %iota3A_136 = tpu.iota {dimensions = array<i32: 0>} : vector<896x128xi32>
    %iota3A_137 = tpu.iota {dimensions = array<i32: 1>} : vector<896x128xi32>
    %mul3A_138 = arith.constant 7 : i32
    %mul3A_139 = vector.broadcast %mul3A_138 : i32 to vector<896x128xi32>
    %mul3A_140 = arith.muli %iota3A_137, %mul3A_139 : vector<896x128xi32>
    %sub3A_141 = arith.subi %iota3A_136, %mul3A_140 : vector<896x128xi32>
    %lt3A = arith.constant 7 : i32
    %lt3A_142 = vector.broadcast %lt3A : i32 to vector<896x128xi32>
    %lt3A_143 = arith.cmpi ult, %sub3A_141, %lt3A_142 : vector<896x128xi32>
    %jit3A_144 = arith.constant 1.000000e+00 : f32
    %jit3A_145 = arith.constant 0.000000e+00 : f32
    %broadcast_in_dim3A_146 = vector.broadcast %jit3A_144 : f32 to vector<896x128xf32>
    %broadcast_in_dim3A_147 = vector.broadcast %jit3A_145 : f32 to vector<896x128xf32>
    %select_n3A_148 = arith.select %lt3A_143, %broadcast_in_dim3A_146, %broadcast_in_dim3A_147 : vector<896x128xi1>, vector<896x128xf32>
    %dot_general3A_149 = arith.constant dense<0.000000e+00> : vector<162x128xf32>
    %dot_general3A_150 = tpu.matmul %concatenate3A_135, %select_n3A_148, %dot_general3A_149 {dimension_numbers = #tpu.dot_dimension_numbers<[1], [0], [0], [1], [0, 0, 1, 1], [], []>, transpose_lhs_hint = false} : vector<162x896xf32>, vector<896x128xf32>, vector<162x128xf32> -> vector<162x128xf32>
    %mul3A_151 = arith.constant 0.142857149 : f32
    %mul3A_152 = vector.broadcast %mul3A_151 : f32 to vector<162x128xf32>
    %mul3A_153 = arith.mulf %dot_general3A_150, %mul3A_152 : vector<162x128xf32>
    tpu.wait_dma2 semaphore(%arg19 : memref<!tpu.dma_semaphore, #tpu.memory_space<semaphore_mem>>) src(%arg5 : memref<256x896xf32, #tpu.memory_space<hbm>>) dst(%arg17 : memref<256x896xf32, #tpu.memory_space<vmem>>)
    %slice3A_154 = vector.extract_strided_slice %slice3A_2 {offsets = [0, 0], sizes = [162, 1], strides = [1, 1]} : vector<162x7xi32> to vector<162x1xi32>
    %iota3A_155 = tpu.iota {dimensions = array<i32: 1>} : vector<162x162xi32>
    %eq3A_156 = vector.broadcast %slice3A_154 : vector<162x1xi32> to vector<162x162xi32>
    %eq3A_157 = arith.cmpi eq, %iota3A_155, %eq3A_156 : vector<162x162xi32>
    %jit3A_158 = arith.constant 1.000000e+00 : f32
    %jit3A_159 = arith.constant 0.000000e+00 : f32
    %broadcast_in_dim3A_160 = vector.broadcast %jit3A_158 : f32 to vector<162x162xf32>
    %broadcast_in_dim3A_161 = vector.broadcast %jit3A_159 : f32 to vector<162x162xf32>
    %select_n3A_162 = arith.select %eq3A_157, %broadcast_in_dim3A_160, %broadcast_in_dim3A_161 : vector<162x162xi1>, vector<162x162xf32>
    %convert_element_type3A_163 = arith.truncf %select_n3A_162 : vector<162x162xf32> to vector<162x162xbf16>
    %slice3A_164 = vector.extract_strided_slice %slice3A_2 {offsets = [0, 1], sizes = [162, 1], strides = [1, 1]} : vector<162x7xi32> to vector<162x1xi32>
    %iota3A_165 = tpu.iota {dimensions = array<i32: 1>} : vector<162x162xi32>
    %eq3A_166 = vector.broadcast %slice3A_164 : vector<162x1xi32> to vector<162x162xi32>
    %eq3A_167 = arith.cmpi eq, %iota3A_165, %eq3A_166 : vector<162x162xi32>
    %jit3A_168 = arith.constant 1.000000e+00 : f32
    %jit3A_169 = arith.constant 0.000000e+00 : f32
    %broadcast_in_dim3A_170 = vector.broadcast %jit3A_168 : f32 to vector<162x162xf32>
    %broadcast_in_dim3A_171 = vector.broadcast %jit3A_169 : f32 to vector<162x162xf32>
    %select_n3A_172 = arith.select %eq3A_167, %broadcast_in_dim3A_170, %broadcast_in_dim3A_171 : vector<162x162xi1>, vector<162x162xf32>
    %convert_element_type3A_173 = arith.truncf %select_n3A_172 : vector<162x162xf32> to vector<162x162xbf16>
    %slice3A_174 = vector.extract_strided_slice %slice3A_2 {offsets = [0, 2], sizes = [162, 1], strides = [1, 1]} : vector<162x7xi32> to vector<162x1xi32>
    %iota3A_175 = tpu.iota {dimensions = array<i32: 1>} : vector<162x162xi32>
    %eq3A_176 = vector.broadcast %slice3A_174 : vector<162x1xi32> to vector<162x162xi32>
    %eq3A_177 = arith.cmpi eq, %iota3A_175, %eq3A_176 : vector<162x162xi32>
    %jit3A_178 = arith.constant 1.000000e+00 : f32
    %jit3A_179 = arith.constant 0.000000e+00 : f32
    %broadcast_in_dim3A_180 = vector.broadcast %jit3A_178 : f32 to vector<162x162xf32>
    %broadcast_in_dim3A_181 = vector.broadcast %jit3A_179 : f32 to vector<162x162xf32>
    %select_n3A_182 = arith.select %eq3A_177, %broadcast_in_dim3A_180, %broadcast_in_dim3A_181 : vector<162x162xi1>, vector<162x162xf32>
    %convert_element_type3A_183 = arith.truncf %select_n3A_182 : vector<162x162xf32> to vector<162x162xbf16>
    %slice3A_184 = vector.extract_strided_slice %slice3A_2 {offsets = [0, 3], sizes = [162, 1], strides = [1, 1]} : vector<162x7xi32> to vector<162x1xi32>
    %iota3A_185 = tpu.iota {dimensions = array<i32: 1>} : vector<162x162xi32>
    %eq3A_186 = vector.broadcast %slice3A_184 : vector<162x1xi32> to vector<162x162xi32>
    %eq3A_187 = arith.cmpi eq, %iota3A_185, %eq3A_186 : vector<162x162xi32>
    %jit3A_188 = arith.constant 1.000000e+00 : f32
    %jit3A_189 = arith.constant 0.000000e+00 : f32
    %broadcast_in_dim3A_190 = vector.broadcast %jit3A_188 : f32 to vector<162x162xf32>
    %broadcast_in_dim3A_191 = vector.broadcast %jit3A_189 : f32 to vector<162x162xf32>
    %select_n3A_192 = arith.select %eq3A_187, %broadcast_in_dim3A_190, %broadcast_in_dim3A_191 : vector<162x162xi1>, vector<162x162xf32>
    %convert_element_type3A_193 = arith.truncf %select_n3A_192 : vector<162x162xf32> to vector<162x162xbf16>
    %slice3A_194 = vector.extract_strided_slice %slice3A_2 {offsets = [0, 4], sizes = [162, 1], strides = [1, 1]} : vector<162x7xi32> to vector<162x1xi32>
    %iota3A_195 = tpu.iota {dimensions = array<i32: 1>} : vector<162x162xi32>
    %eq3A_196 = vector.broadcast %slice3A_194 : vector<162x1xi32> to vector<162x162xi32>
    %eq3A_197 = arith.cmpi eq, %iota3A_195, %eq3A_196 : vector<162x162xi32>
    %jit3A_198 = arith.constant 1.000000e+00 : f32
    %jit3A_199 = arith.constant 0.000000e+00 : f32
    %broadcast_in_dim3A_200 = vector.broadcast %jit3A_198 : f32 to vector<162x162xf32>
    %broadcast_in_dim3A_201 = vector.broadcast %jit3A_199 : f32 to vector<162x162xf32>
    %select_n3A_202 = arith.select %eq3A_197, %broadcast_in_dim3A_200, %broadcast_in_dim3A_201 : vector<162x162xi1>, vector<162x162xf32>
    %convert_element_type3A_203 = arith.truncf %select_n3A_202 : vector<162x162xf32> to vector<162x162xbf16>
    %slice3A_204 = vector.extract_strided_slice %slice3A_2 {offsets = [0, 5], sizes = [162, 1], strides = [1, 1]} : vector<162x7xi32> to vector<162x1xi32>
    %iota3A_205 = tpu.iota {dimensions = array<i32: 1>} : vector<162x162xi32>
    %eq3A_206 = vector.broadcast %slice3A_204 : vector<162x1xi32> to vector<162x162xi32>
    %eq3A_207 = arith.cmpi eq, %iota3A_205, %eq3A_206 : vector<162x162xi32>
    %jit3A_208 = arith.constant 1.000000e+00 : f32
    %jit3A_209 = arith.constant 0.000000e+00 : f32
    %broadcast_in_dim3A_210 = vector.broadcast %jit3A_208 : f32 to vector<162x162xf32>
    %broadcast_in_dim3A_211 = vector.broadcast %jit3A_209 : f32 to vector<162x162xf32>
    %select_n3A_212 = arith.select %eq3A_207, %broadcast_in_dim3A_210, %broadcast_in_dim3A_211 : vector<162x162xi1>, vector<162x162xf32>
    %convert_element_type3A_213 = arith.truncf %select_n3A_212 : vector<162x162xf32> to vector<162x162xbf16>
    %convert_element_type3A_214 = arith.truncf %mul3A_153 : vector<162x128xf32> to vector<162x128xbf16>
    %convert_element_type3A_215 = arith.extf %convert_element_type3A_214 : vector<162x128xbf16> to vector<162x128xf32>
    %sub3A_216 = arith.subf %mul3A_153, %convert_element_type3A_215 : vector<162x128xf32>
    %convert_element_type3A_217 = arith.truncf %sub3A_216 : vector<162x128xf32> to vector<162x128xbf16>
    %concatenate3A_218 = tpu.concatenate %convert_element_type3A_214, %convert_element_type3A_217 in 1 : vector<162x128xbf16>, vector<162x128xbf16> -> vector<162x256xbf16>
    %dot_general3A_219 = arith.constant dense<0.000000e+00> : vector<162x256xf32>
    %dot_general3A_220 = tpu.matmul %convert_element_type3A_163, %concatenate3A_218, %dot_general3A_219 {dimension_numbers = #tpu.dot_dimension_numbers<[1], [0], [0], [1], [0, 0, 1, 1], [], []>, transpose_lhs_hint = false} : vector<162x162xbf16>, vector<162x256xbf16>, vector<162x256xf32> -> vector<162x256xf32>
    %slice3A_221 = vector.extract_strided_slice %dot_general3A_220 {offsets = [0, 0], sizes = [162, 128], strides = [1, 1]} : vector<162x256xf32> to vector<162x128xf32>
    %slice3A_222 = vector.extract_strided_slice %dot_general3A_220 {offsets = [0, 128], sizes = [162, 128], strides = [1, 1]} : vector<162x256xf32> to vector<162x128xf32>
    %add3A_223 = arith.addf %slice3A_221, %slice3A_222 : vector<162x128xf32>
    %dot_general3A_224 = arith.constant dense<0.000000e+00> : vector<162x256xf32>
    %dot_general3A_225 = tpu.matmul %convert_element_type3A_173, %concatenate3A_218, %dot_general3A_224 {dimension_numbers = #tpu.dot_dimension_numbers<[1], [0], [0], [1], [0, 0, 1, 1], [], []>, transpose_lhs_hint = false} : vector<162x162xbf16>, vector<162x256xbf16>, vector<162x256xf32> -> vector<162x256xf32>
    %slice3A_226 = vector.extract_strided_slice %dot_general3A_225 {offsets = [0, 0], sizes = [162, 128], strides = [1, 1]} : vector<162x256xf32> to vector<162x128xf32>
    %slice3A_227 = vector.extract_strided_slice %dot_general3A_225 {offsets = [0, 128], sizes = [162, 128], strides = [1, 1]} : vector<162x256xf32> to vector<162x128xf32>
    %add3A_228 = arith.addf %slice3A_226, %slice3A_227 : vector<162x128xf32>
    %dot_general3A_229 = arith.constant dense<0.000000e+00> : vector<162x256xf32>
    %dot_general3A_230 = tpu.matmul %convert_element_type3A_183, %concatenate3A_218, %dot_general3A_229 {dimension_numbers = #tpu.dot_dimension_numbers<[1], [0], [0], [1], [0, 0, 1, 1], [], []>, transpose_lhs_hint = false} : vector<162x162xbf16>, vector<162x256xbf16>, vector<162x256xf32> -> vector<162x256xf32>
    %slice3A_231 = vector.extract_strided_slice %dot_general3A_230 {offsets = [0, 0], sizes = [162, 128], strides = [1, 1]} : vector<162x256xf32> to vector<162x128xf32>
    %slice3A_232 = vector.extract_strided_slice %dot_general3A_230 {offsets = [0, 128], sizes = [162, 128], strides = [1, 1]} : vector<162x256xf32> to vector<162x128xf32>
    %add3A_233 = arith.addf %slice3A_231, %slice3A_232 : vector<162x128xf32>
    %dot_general3A_234 = arith.constant dense<0.000000e+00> : vector<162x256xf32>
    %dot_general3A_235 = tpu.matmul %convert_element_type3A_193, %concatenate3A_218, %dot_general3A_234 {dimension_numbers = #tpu.dot_dimension_numbers<[1], [0], [0], [1], [0, 0, 1, 1], [], []>, transpose_lhs_hint = false} : vector<162x162xbf16>, vector<162x256xbf16>, vector<162x256xf32> -> vector<162x256xf32>
    %slice3A_236 = vector.extract_strided_slice %dot_general3A_235 {offsets = [0, 0], sizes = [162, 128], strides = [1, 1]} : vector<162x256xf32> to vector<162x128xf32>
    %slice3A_237 = vector.extract_strided_slice %dot_general3A_235 {offsets = [0, 128], sizes = [162, 128], strides = [1, 1]} : vector<162x256xf32> to vector<162x128xf32>
    %add3A_238 = arith.addf %slice3A_236, %slice3A_237 : vector<162x128xf32>
    %dot_general3A_239 = arith.constant dense<0.000000e+00> : vector<162x256xf32>
    %dot_general3A_240 = tpu.matmul %convert_element_type3A_203, %concatenate3A_218, %dot_general3A_239 {dimension_numbers = #tpu.dot_dimension_numbers<[1], [0], [0], [1], [0, 0, 1, 1], [], []>, transpose_lhs_hint = false} : vector<162x162xbf16>, vector<162x256xbf16>, vector<162x256xf32> -> vector<162x256xf32>
    %slice3A_241 = vector.extract_strided_slice %dot_general3A_240 {offsets = [0, 0], sizes = [162, 128], strides = [1, 1]} : vector<162x256xf32> to vector<162x128xf32>
    %slice3A_242 = vector.extract_strided_slice %dot_general3A_240 {offsets = [0, 128], sizes = [162, 128], strides = [1, 1]} : vector<162x256xf32> to vector<162x128xf32>
    %add3A_243 = arith.addf %slice3A_241, %slice3A_242 : vector<162x128xf32>
    %dot_general3A_244 = arith.constant dense<0.000000e+00> : vector<162x256xf32>
    %dot_general3A_245 = tpu.matmul %convert_element_type3A_213, %concatenate3A_218, %dot_general3A_244 {dimension_numbers = #tpu.dot_dimension_numbers<[1], [0], [0], [1], [0, 0, 1, 1], [], []>, transpose_lhs_hint = false} : vector<162x162xbf16>, vector<162x256xbf16>, vector<162x256xf32> -> vector<162x256xf32>
    %slice3A_246 = vector.extract_strided_slice %dot_general3A_245 {offsets = [0, 0], sizes = [162, 128], strides = [1, 1]} : vector<162x256xf32> to vector<162x128xf32>
    %slice3A_247 = vector.extract_strided_slice %dot_general3A_245 {offsets = [0, 128], sizes = [162, 128], strides = [1, 1]} : vector<162x256xf32> to vector<162x128xf32>
    %add3A_248 = arith.addf %slice3A_246, %slice3A_247 : vector<162x128xf32>
    %concatenate3A_249 = tpu.concatenate %add3A_223, %add3A_228, %add3A_233, %add3A_238, %add3A_243, %add3A_248, %mul3A_153 in 1 : vector<162x128xf32>, vector<162x128xf32>, vector<162x128xf32>, vector<162x128xf32>, vector<162x128xf32>, vector<162x128xf32>, vector<162x128xf32> -> vector<162x896xf32>
    %get3A_250 = arith.constant 0 : index
    %get3A_251 = arith.constant 0 : index
    %get3A_252 = vector.load %arg17[%get3A_250, %get3A_251] : memref<256x896xf32, #tpu.memory_space<vmem>>, vector<256x896xf32>
    %dot_general3A_253 = arith.constant dense<0.000000e+00> : vector<162x256xf32>
    %dot_general3A_254 = tpu.matmul %concatenate3A_249, %get3A_252, %dot_general3A_253 {dimension_numbers = #tpu.dot_dimension_numbers<[1], [1], [0], [0], [0, 0, 1, 0], [], []>, transpose_lhs_hint = false} : vector<162x896xf32>, vector<256x896xf32>, vector<162x256xf32> -> vector<162x256xf32>
    %get3A_255 = arith.constant 0 : index
    %get3A_256 = vector.load %arg6[%get3A_255] : memref<256xf32, #tpu.memory_space<vmem>>, vector<256xf32>
    %reshape3A_257 = vector.shape_cast %get3A_256 : vector<256xf32> to vector<1x256xf32>
    %add3A_258 = vector.broadcast %reshape3A_257 : vector<1x256xf32> to vector<162x256xf32>
    %add3A_259 = arith.addf %dot_general3A_254, %add3A_258 : vector<162x256xf32>
    %get3A_260 = arith.constant 0 : index
    %get3A_261 = vector.load %arg7[%get3A_260] : memref<256xf32, #tpu.memory_space<vmem>>, vector<256xf32>
    %reshape3A_262 = vector.shape_cast %get3A_261 : vector<256xf32> to vector<1x256xf32>
    %get3A_263 = arith.constant 0 : index
    %get3A_264 = vector.load %arg8[%get3A_263] : memref<256xf32, #tpu.memory_space<vmem>>, vector<256xf32>
    %reshape3A_265 = vector.shape_cast %get3A_264 : vector<256xf32> to vector<1x256xf32>
    %reduce_sum3A_266 = arith.constant dense<0.000000e+00> : vector<256xf32>
    %reduce_sum3A_267 = vector.multi_reduction <add>, %add3A_259, %reduce_sum3A_266 [0] : vector<162x256xf32> to vector<256xf32>
    %broadcast_in_dim3A_268 = vector.shape_cast %reduce_sum3A_267 : vector<256xf32> to vector<1x256xf32>
    %div3A_269 = arith.constant 1.620000e+02 : f32
    %div3A_270 = vector.broadcast %div3A_269 : f32 to vector<1x256xf32>
    %div3A_271 = arith.divf %broadcast_in_dim3A_268, %div3A_270 : vector<1x256xf32>
    %sub3A_272 = vector.broadcast %div3A_271 : vector<1x256xf32> to vector<162x256xf32>
    %sub3A_273 = arith.subf %add3A_259, %sub3A_272 : vector<162x256xf32>
    %mul3A_274 = arith.mulf %sub3A_273, %sub3A_273 : vector<162x256xf32>
    %reduce_sum3A_275 = arith.constant dense<0.000000e+00> : vector<256xf32>
    %reduce_sum3A_276 = vector.multi_reduction <add>, %mul3A_274, %reduce_sum3A_275 [0] : vector<162x256xf32> to vector<256xf32>
    %broadcast_in_dim3A_277 = vector.shape_cast %reduce_sum3A_276 : vector<256xf32> to vector<1x256xf32>
    %div3A_278 = arith.constant 1.620000e+02 : f32
    %div3A_279 = vector.broadcast %div3A_278 : f32 to vector<1x256xf32>
    %div3A_280 = arith.divf %broadcast_in_dim3A_277, %div3A_279 : vector<1x256xf32>
    %add3A_281 = arith.constant 9.99999974E-6 : f32
    %add3A_282 = vector.broadcast %add3A_281 : f32 to vector<1x256xf32>
    %add3A_283 = arith.addf %div3A_280, %add3A_282 : vector<1x256xf32>
    %rsqrt3A_284 = math.rsqrt %add3A_283 : vector<1x256xf32>
    %mul3A_285 = vector.broadcast %rsqrt3A_284 : vector<1x256xf32> to vector<162x256xf32>
    %mul3A_286 = arith.mulf %sub3A_273, %mul3A_285 : vector<162x256xf32>
    %mul3A_287 = vector.broadcast %reshape3A_262 : vector<1x256xf32> to vector<162x256xf32>
    %mul3A_288 = arith.mulf %mul3A_286, %mul3A_287 : vector<162x256xf32>
    %add3A_289 = vector.broadcast %reshape3A_265 : vector<1x256xf32> to vector<162x256xf32>
    %add3A_290 = arith.addf %mul3A_288, %add3A_289 : vector<162x256xf32>
    %ge3A_291 = arith.constant 0.000000e+00 : f32
    %ge3A_292 = vector.broadcast %ge3A_291 : f32 to vector<162x256xf32>
    %ge3A_293 = arith.cmpf oge, %add3A_290, %ge3A_292 : vector<162x256xf32>
    %mul3A_294 = arith.constant 2.000000e-01 : f32
    %mul3A_295 = vector.broadcast %mul3A_294 : f32 to vector<162x256xf32>
    %mul3A_296 = arith.mulf %mul3A_295, %add3A_290 : vector<162x256xf32>
    %select_n3A_297 = arith.select %ge3A_293, %add3A_290, %mul3A_296 : vector<162x256xi1>, vector<162x256xf32>
    %convert_element_type3A_298 = arith.truncf %select_n3A_297 : vector<162x256xf32> to vector<162x256xbf16>
    %convert_element_type3A_299 = arith.extf %convert_element_type3A_298 : vector<162x256xbf16> to vector<162x256xf32>
    %sub3A_300 = arith.subf %select_n3A_297, %convert_element_type3A_299 : vector<162x256xf32>
    %convert_element_type3A_301 = arith.truncf %sub3A_300 : vector<162x256xf32> to vector<162x256xbf16>
    %concatenate3A_302 = tpu.concatenate %convert_element_type3A_298, %convert_element_type3A_301 in 1 : vector<162x256xbf16>, vector<162x256xbf16> -> vector<162x512xbf16>
    %slice3A_303 = vector.extract_strided_slice %convert_element_type3A_163 {offsets = [0, 0], sizes = [42, 162], strides = [1, 1]} : vector<162x162xbf16> to vector<42x162xbf16>
    %dot_general3A_304 = arith.constant dense<0.000000e+00> : vector<42x512xf32>
    %dot_general3A_305 = tpu.matmul %slice3A_303, %concatenate3A_302, %dot_general3A_304 {dimension_numbers = #tpu.dot_dimension_numbers<[1], [0], [0], [1], [0, 0, 1, 1], [], []>, transpose_lhs_hint = false} : vector<42x162xbf16>, vector<162x512xbf16>, vector<42x512xf32> -> vector<42x512xf32>
    %slice3A_306 = vector.extract_strided_slice %dot_general3A_305 {offsets = [0, 0], sizes = [42, 256], strides = [1, 1]} : vector<42x512xf32> to vector<42x256xf32>
    %slice3A_307 = vector.extract_strided_slice %dot_general3A_305 {offsets = [0, 256], sizes = [42, 256], strides = [1, 1]} : vector<42x512xf32> to vector<42x256xf32>
    %add3A_308 = arith.addf %slice3A_306, %slice3A_307 : vector<42x256xf32>
    %slice3A_309 = vector.extract_strided_slice %convert_element_type3A_173 {offsets = [0, 0], sizes = [42, 162], strides = [1, 1]} : vector<162x162xbf16> to vector<42x162xbf16>
    %dot_general3A_310 = arith.constant dense<0.000000e+00> : vector<42x512xf32>
    %dot_general3A_311 = tpu.matmul %slice3A_309, %concatenate3A_302, %dot_general3A_310 {dimension_numbers = #tpu.dot_dimension_numbers<[1], [0], [0], [1], [0, 0, 1, 1], [], []>, transpose_lhs_hint = false} : vector<42x162xbf16>, vector<162x512xbf16>, vector<42x512xf32> -> vector<42x512xf32>
    %slice3A_312 = vector.extract_strided_slice %dot_general3A_311 {offsets = [0, 0], sizes = [42, 256], strides = [1, 1]} : vector<42x512xf32> to vector<42x256xf32>
    %slice3A_313 = vector.extract_strided_slice %dot_general3A_311 {offsets = [0, 256], sizes = [42, 256], strides = [1, 1]} : vector<42x512xf32> to vector<42x256xf32>
    %add3A_314 = arith.addf %slice3A_312, %slice3A_313 : vector<42x256xf32>
    %slice3A_315 = vector.extract_strided_slice %convert_element_type3A_183 {offsets = [0, 0], sizes = [42, 162], strides = [1, 1]} : vector<162x162xbf16> to vector<42x162xbf16>
    %dot_general3A_316 = arith.constant dense<0.000000e+00> : vector<42x512xf32>
    %dot_general3A_317 = tpu.matmul %slice3A_315, %concatenate3A_302, %dot_general3A_316 {dimension_numbers = #tpu.dot_dimension_numbers<[1], [0], [0], [1], [0, 0, 1, 1], [], []>, transpose_lhs_hint = false} : vector<42x162xbf16>, vector<162x512xbf16>, vector<42x512xf32> -> vector<42x512xf32>
    %slice3A_318 = vector.extract_strided_slice %dot_general3A_317 {offsets = [0, 0], sizes = [42, 256], strides = [1, 1]} : vector<42x512xf32> to vector<42x256xf32>
    %slice3A_319 = vector.extract_strided_slice %dot_general3A_317 {offsets = [0, 256], sizes = [42, 256], strides = [1, 1]} : vector<42x512xf32> to vector<42x256xf32>
    %add3A_320 = arith.addf %slice3A_318, %slice3A_319 : vector<42x256xf32>
    %slice3A_321 = vector.extract_strided_slice %convert_element_type3A_193 {offsets = [0, 0], sizes = [42, 162], strides = [1, 1]} : vector<162x162xbf16> to vector<42x162xbf16>
    %dot_general3A_322 = arith.constant dense<0.000000e+00> : vector<42x512xf32>
    %dot_general3A_323 = tpu.matmul %slice3A_321, %concatenate3A_302, %dot_general3A_322 {dimension_numbers = #tpu.dot_dimension_numbers<[1], [0], [0], [1], [0, 0, 1, 1], [], []>, transpose_lhs_hint = false} : vector<42x162xbf16>, vector<162x512xbf16>, vector<42x512xf32> -> vector<42x512xf32>
    %slice3A_324 = vector.extract_strided_slice %dot_general3A_323 {offsets = [0, 0], sizes = [42, 256], strides = [1, 1]} : vector<42x512xf32> to vector<42x256xf32>
    %slice3A_325 = vector.extract_strided_slice %dot_general3A_323 {offsets = [0, 256], sizes = [42, 256], strides = [1, 1]} : vector<42x512xf32> to vector<42x256xf32>
    %add3A_326 = arith.addf %slice3A_324, %slice3A_325 : vector<42x256xf32>
    %slice3A_327 = vector.extract_strided_slice %convert_element_type3A_203 {offsets = [0, 0], sizes = [42, 162], strides = [1, 1]} : vector<162x162xbf16> to vector<42x162xbf16>
    %dot_general3A_328 = arith.constant dense<0.000000e+00> : vector<42x512xf32>
    %dot_general3A_329 = tpu.matmul %slice3A_327, %concatenate3A_302, %dot_general3A_328 {dimension_numbers = #tpu.dot_dimension_numbers<[1], [0], [0], [1], [0, 0, 1, 1], [], []>, transpose_lhs_hint = false} : vector<42x162xbf16>, vector<162x512xbf16>, vector<42x512xf32> -> vector<42x512xf32>
    %slice3A_330 = vector.extract_strided_slice %dot_general3A_329 {offsets = [0, 0], sizes = [42, 256], strides = [1, 1]} : vector<42x512xf32> to vector<42x256xf32>
    %slice3A_331 = vector.extract_strided_slice %dot_general3A_329 {offsets = [0, 256], sizes = [42, 256], strides = [1, 1]} : vector<42x512xf32> to vector<42x256xf32>
    %add3A_332 = arith.addf %slice3A_330, %slice3A_331 : vector<42x256xf32>
    %slice3A_333 = vector.extract_strided_slice %convert_element_type3A_213 {offsets = [0, 0], sizes = [42, 162], strides = [1, 1]} : vector<162x162xbf16> to vector<42x162xbf16>
    %dot_general3A_334 = arith.constant dense<0.000000e+00> : vector<42x512xf32>
    %dot_general3A_335 = tpu.matmul %slice3A_333, %concatenate3A_302, %dot_general3A_334 {dimension_numbers = #tpu.dot_dimension_numbers<[1], [0], [0], [1], [0, 0, 1, 1], [], []>, transpose_lhs_hint = false} : vector<42x162xbf16>, vector<162x512xbf16>, vector<42x512xf32> -> vector<42x512xf32>
    %slice3A_336 = vector.extract_strided_slice %dot_general3A_335 {offsets = [0, 0], sizes = [42, 256], strides = [1, 1]} : vector<42x512xf32> to vector<42x256xf32>
    %slice3A_337 = vector.extract_strided_slice %dot_general3A_335 {offsets = [0, 256], sizes = [42, 256], strides = [1, 1]} : vector<42x512xf32> to vector<42x256xf32>
    %add3A_338 = arith.addf %slice3A_336, %slice3A_337 : vector<42x256xf32>
    %slice3A_339 = vector.extract_strided_slice %select_n3A_297 {offsets = [0, 0], sizes = [42, 256], strides = [1, 1]} : vector<162x256xf32> to vector<42x256xf32>
    %concatenate3A_340 = tpu.concatenate %add3A_308, %add3A_314, %add3A_320, %add3A_326, %add3A_332, %add3A_338, %slice3A_339 in 1 : vector<42x256xf32>, vector<42x256xf32>, vector<42x256xf32>, vector<42x256xf32>, vector<42x256xf32>, vector<42x256xf32>, vector<42x256xf32> -> vector<42x1792xf32>
    %iota3A_341 = tpu.iota {dimensions = array<i32: 0>} : vector<1792x256xi32>
    %iota3A_342 = tpu.iota {dimensions = array<i32: 1>} : vector<1792x256xi32>
    %mul3A_343 = arith.constant 7 : i32
    %mul3A_344 = vector.broadcast %mul3A_343 : i32 to vector<1792x256xi32>
    %mul3A_345 = arith.muli %iota3A_342, %mul3A_344 : vector<1792x256xi32>
    %sub3A_346 = arith.subi %iota3A_341, %mul3A_345 : vector<1792x256xi32>
    %lt3A_347 = arith.constant 7 : i32
    %lt3A_348 = vector.broadcast %lt3A_347 : i32 to vector<1792x256xi32>
    %lt3A_349 = arith.cmpi ult, %sub3A_346, %lt3A_348 : vector<1792x256xi32>
    %jit3A_350 = arith.constant 1.000000e+00 : f32
    %jit3A_351 = arith.constant 0.000000e+00 : f32
    %broadcast_in_dim3A_352 = vector.broadcast %jit3A_350 : f32 to vector<1792x256xf32>
    %broadcast_in_dim3A_353 = vector.broadcast %jit3A_351 : f32 to vector<1792x256xf32>
    %select_n3A_354 = arith.select %lt3A_349, %broadcast_in_dim3A_352, %broadcast_in_dim3A_353 : vector<1792x256xi1>, vector<1792x256xf32>
    %dot_general3A_355 = arith.constant dense<0.000000e+00> : vector<42x256xf32>
    %dot_general3A_356 = tpu.matmul %concatenate3A_340, %select_n3A_354, %dot_general3A_355 {dimension_numbers = #tpu.dot_dimension_numbers<[1], [0], [0], [1], [0, 0, 1, 1], [], []>, transpose_lhs_hint = false} : vector<42x1792xf32>, vector<1792x256xf32>, vector<42x256xf32> -> vector<42x256xf32>
    %mul3A_357 = arith.constant 0.142857149 : f32
    %mul3A_358 = vector.broadcast %mul3A_357 : f32 to vector<42x256xf32>
    %mul3A_359 = arith.mulf %dot_general3A_356, %mul3A_358 : vector<42x256xf32>
    tpu.wait_dma2 semaphore(%arg20 : memref<!tpu.dma_semaphore, #tpu.memory_space<semaphore_mem>>) src(%arg9 : memref<512x1792xf32, #tpu.memory_space<hbm>>) dst(%arg18 : memref<512x1792xf32, #tpu.memory_space<vmem>>)
    %slice3A_360 = vector.extract_strided_slice %slice3A_3 {offsets = [0, 0], sizes = [42, 1], strides = [1, 1]} : vector<42x7xi32> to vector<42x1xi32>
    %iota3A_361 = tpu.iota {dimensions = array<i32: 1>} : vector<42x42xi32>
    %eq3A_362 = vector.broadcast %slice3A_360 : vector<42x1xi32> to vector<42x42xi32>
    %eq3A_363 = arith.cmpi eq, %iota3A_361, %eq3A_362 : vector<42x42xi32>
    %jit3A_364 = arith.constant 1.000000e+00 : f32
    %jit3A_365 = arith.constant 0.000000e+00 : f32
    %broadcast_in_dim3A_366 = vector.broadcast %jit3A_364 : f32 to vector<42x42xf32>
    %broadcast_in_dim3A_367 = vector.broadcast %jit3A_365 : f32 to vector<42x42xf32>
    %select_n3A_368 = arith.select %eq3A_363, %broadcast_in_dim3A_366, %broadcast_in_dim3A_367 : vector<42x42xi1>, vector<42x42xf32>
    %convert_element_type3A_369 = arith.truncf %select_n3A_368 : vector<42x42xf32> to vector<42x42xbf16>
    %slice3A_370 = vector.extract_strided_slice %slice3A_3 {offsets = [0, 1], sizes = [42, 1], strides = [1, 1]} : vector<42x7xi32> to vector<42x1xi32>
    %iota3A_371 = tpu.iota {dimensions = array<i32: 1>} : vector<42x42xi32>
    %eq3A_372 = vector.broadcast %slice3A_370 : vector<42x1xi32> to vector<42x42xi32>
    %eq3A_373 = arith.cmpi eq, %iota3A_371, %eq3A_372 : vector<42x42xi32>
    %jit3A_374 = arith.constant 1.000000e+00 : f32
    %jit3A_375 = arith.constant 0.000000e+00 : f32
    %broadcast_in_dim3A_376 = vector.broadcast %jit3A_374 : f32 to vector<42x42xf32>
    %broadcast_in_dim3A_377 = vector.broadcast %jit3A_375 : f32 to vector<42x42xf32>
    %select_n3A_378 = arith.select %eq3A_373, %broadcast_in_dim3A_376, %broadcast_in_dim3A_377 : vector<42x42xi1>, vector<42x42xf32>
    %convert_element_type3A_379 = arith.truncf %select_n3A_378 : vector<42x42xf32> to vector<42x42xbf16>
    %slice3A_380 = vector.extract_strided_slice %slice3A_3 {offsets = [0, 2], sizes = [42, 1], strides = [1, 1]} : vector<42x7xi32> to vector<42x1xi32>
    %iota3A_381 = tpu.iota {dimensions = array<i32: 1>} : vector<42x42xi32>
    %eq3A_382 = vector.broadcast %slice3A_380 : vector<42x1xi32> to vector<42x42xi32>
    %eq3A_383 = arith.cmpi eq, %iota3A_381, %eq3A_382 : vector<42x42xi32>
    %jit3A_384 = arith.constant 1.000000e+00 : f32
    %jit3A_385 = arith.constant 0.000000e+00 : f32
    %broadcast_in_dim3A_386 = vector.broadcast %jit3A_384 : f32 to vector<42x42xf32>
    %broadcast_in_dim3A_387 = vector.broadcast %jit3A_385 : f32 to vector<42x42xf32>
    %select_n3A_388 = arith.select %eq3A_383, %broadcast_in_dim3A_386, %broadcast_in_dim3A_387 : vector<42x42xi1>, vector<42x42xf32>
    %convert_element_type3A_389 = arith.truncf %select_n3A_388 : vector<42x42xf32> to vector<42x42xbf16>
    %slice3A_390 = vector.extract_strided_slice %slice3A_3 {offsets = [0, 3], sizes = [42, 1], strides = [1, 1]} : vector<42x7xi32> to vector<42x1xi32>
    %iota3A_391 = tpu.iota {dimensions = array<i32: 1>} : vector<42x42xi32>
    %eq3A_392 = vector.broadcast %slice3A_390 : vector<42x1xi32> to vector<42x42xi32>
    %eq3A_393 = arith.cmpi eq, %iota3A_391, %eq3A_392 : vector<42x42xi32>
    %jit3A_394 = arith.constant 1.000000e+00 : f32
    %jit3A_395 = arith.constant 0.000000e+00 : f32
    %broadcast_in_dim3A_396 = vector.broadcast %jit3A_394 : f32 to vector<42x42xf32>
    %broadcast_in_dim3A_397 = vector.broadcast %jit3A_395 : f32 to vector<42x42xf32>
    %select_n3A_398 = arith.select %eq3A_393, %broadcast_in_dim3A_396, %broadcast_in_dim3A_397 : vector<42x42xi1>, vector<42x42xf32>
    %convert_element_type3A_399 = arith.truncf %select_n3A_398 : vector<42x42xf32> to vector<42x42xbf16>
    %slice3A_400 = vector.extract_strided_slice %slice3A_3 {offsets = [0, 4], sizes = [42, 1], strides = [1, 1]} : vector<42x7xi32> to vector<42x1xi32>
    %iota3A_401 = tpu.iota {dimensions = array<i32: 1>} : vector<42x42xi32>
    %eq3A_402 = vector.broadcast %slice3A_400 : vector<42x1xi32> to vector<42x42xi32>
    %eq3A_403 = arith.cmpi eq, %iota3A_401, %eq3A_402 : vector<42x42xi32>
    %jit3A_404 = arith.constant 1.000000e+00 : f32
    %jit3A_405 = arith.constant 0.000000e+00 : f32
    %broadcast_in_dim3A_406 = vector.broadcast %jit3A_404 : f32 to vector<42x42xf32>
    %broadcast_in_dim3A_407 = vector.broadcast %jit3A_405 : f32 to vector<42x42xf32>
    %select_n3A_408 = arith.select %eq3A_403, %broadcast_in_dim3A_406, %broadcast_in_dim3A_407 : vector<42x42xi1>, vector<42x42xf32>
    %convert_element_type3A_409 = arith.truncf %select_n3A_408 : vector<42x42xf32> to vector<42x42xbf16>
    %slice3A_410 = vector.extract_strided_slice %slice3A_3 {offsets = [0, 5], sizes = [42, 1], strides = [1, 1]} : vector<42x7xi32> to vector<42x1xi32>
    %iota3A_411 = tpu.iota {dimensions = array<i32: 1>} : vector<42x42xi32>
    %eq3A_412 = vector.broadcast %slice3A_410 : vector<42x1xi32> to vector<42x42xi32>
    %eq3A_413 = arith.cmpi eq, %iota3A_411, %eq3A_412 : vector<42x42xi32>
    %jit3A_414 = arith.constant 1.000000e+00 : f32
    %jit3A_415 = arith.constant 0.000000e+00 : f32
    %broadcast_in_dim3A_416 = vector.broadcast %jit3A_414 : f32 to vector<42x42xf32>
    %broadcast_in_dim3A_417 = vector.broadcast %jit3A_415 : f32 to vector<42x42xf32>
    %select_n3A_418 = arith.select %eq3A_413, %broadcast_in_dim3A_416, %broadcast_in_dim3A_417 : vector<42x42xi1>, vector<42x42xf32>
    %convert_element_type3A_419 = arith.truncf %select_n3A_418 : vector<42x42xf32> to vector<42x42xbf16>
    %convert_element_type3A_420 = arith.truncf %mul3A_359 : vector<42x256xf32> to vector<42x256xbf16>
    %convert_element_type3A_421 = arith.extf %convert_element_type3A_420 : vector<42x256xbf16> to vector<42x256xf32>
    %sub3A_422 = arith.subf %mul3A_359, %convert_element_type3A_421 : vector<42x256xf32>
    %convert_element_type3A_423 = arith.truncf %sub3A_422 : vector<42x256xf32> to vector<42x256xbf16>
    %concatenate3A_424 = tpu.concatenate %convert_element_type3A_420, %convert_element_type3A_423 in 1 : vector<42x256xbf16>, vector<42x256xbf16> -> vector<42x512xbf16>
    %dot_general3A_425 = arith.constant dense<0.000000e+00> : vector<42x512xf32>
    %dot_general3A_426 = tpu.matmul %convert_element_type3A_369, %concatenate3A_424, %dot_general3A_425 {dimension_numbers = #tpu.dot_dimension_numbers<[1], [0], [0], [1], [0, 0, 1, 1], [], []>, transpose_lhs_hint = false} : vector<42x42xbf16>, vector<42x512xbf16>, vector<42x512xf32> -> vector<42x512xf32>
    %slice3A_427 = vector.extract_strided_slice %dot_general3A_426 {offsets = [0, 0], sizes = [42, 256], strides = [1, 1]} : vector<42x512xf32> to vector<42x256xf32>
    %slice3A_428 = vector.extract_strided_slice %dot_general3A_426 {offsets = [0, 256], sizes = [42, 256], strides = [1, 1]} : vector<42x512xf32> to vector<42x256xf32>
    %add3A_429 = arith.addf %slice3A_427, %slice3A_428 : vector<42x256xf32>
    %dot_general3A_430 = arith.constant dense<0.000000e+00> : vector<42x512xf32>
    %dot_general3A_431 = tpu.matmul %convert_element_type3A_379, %concatenate3A_424, %dot_general3A_430 {dimension_numbers = #tpu.dot_dimension_numbers<[1], [0], [0], [1], [0, 0, 1, 1], [], []>, transpose_lhs_hint = false} : vector<42x42xbf16>, vector<42x512xbf16>, vector<42x512xf32> -> vector<42x512xf32>
    %slice3A_432 = vector.extract_strided_slice %dot_general3A_431 {offsets = [0, 0], sizes = [42, 256], strides = [1, 1]} : vector<42x512xf32> to vector<42x256xf32>
    %slice3A_433 = vector.extract_strided_slice %dot_general3A_431 {offsets = [0, 256], sizes = [42, 256], strides = [1, 1]} : vector<42x512xf32> to vector<42x256xf32>
    %add3A_434 = arith.addf %slice3A_432, %slice3A_433 : vector<42x256xf32>
    %dot_general3A_435 = arith.constant dense<0.000000e+00> : vector<42x512xf32>
    %dot_general3A_436 = tpu.matmul %convert_element_type3A_389, %concatenate3A_424, %dot_general3A_435 {dimension_numbers = #tpu.dot_dimension_numbers<[1], [0], [0], [1], [0, 0, 1, 1], [], []>, transpose_lhs_hint = false} : vector<42x42xbf16>, vector<42x512xbf16>, vector<42x512xf32> -> vector<42x512xf32>
    %slice3A_437 = vector.extract_strided_slice %dot_general3A_436 {offsets = [0, 0], sizes = [42, 256], strides = [1, 1]} : vector<42x512xf32> to vector<42x256xf32>
    %slice3A_438 = vector.extract_strided_slice %dot_general3A_436 {offsets = [0, 256], sizes = [42, 256], strides = [1, 1]} : vector<42x512xf32> to vector<42x256xf32>
    %add3A_439 = arith.addf %slice3A_437, %slice3A_438 : vector<42x256xf32>
    %dot_general3A_440 = arith.constant dense<0.000000e+00> : vector<42x512xf32>
    %dot_general3A_441 = tpu.matmul %convert_element_type3A_399, %concatenate3A_424, %dot_general3A_440 {dimension_numbers = #tpu.dot_dimension_numbers<[1], [0], [0], [1], [0, 0, 1, 1], [], []>, transpose_lhs_hint = false} : vector<42x42xbf16>, vector<42x512xbf16>, vector<42x512xf32> -> vector<42x512xf32>
    %slice3A_442 = vector.extract_strided_slice %dot_general3A_441 {offsets = [0, 0], sizes = [42, 256], strides = [1, 1]} : vector<42x512xf32> to vector<42x256xf32>
    %slice3A_443 = vector.extract_strided_slice %dot_general3A_441 {offsets = [0, 256], sizes = [42, 256], strides = [1, 1]} : vector<42x512xf32> to vector<42x256xf32>
    %add3A_444 = arith.addf %slice3A_442, %slice3A_443 : vector<42x256xf32>
    %dot_general3A_445 = arith.constant dense<0.000000e+00> : vector<42x512xf32>
    %dot_general3A_446 = tpu.matmul %convert_element_type3A_409, %concatenate3A_424, %dot_general3A_445 {dimension_numbers = #tpu.dot_dimension_numbers<[1], [0], [0], [1], [0, 0, 1, 1], [], []>, transpose_lhs_hint = false} : vector<42x42xbf16>, vector<42x512xbf16>, vector<42x512xf32> -> vector<42x512xf32>
    %slice3A_447 = vector.extract_strided_slice %dot_general3A_446 {offsets = [0, 0], sizes = [42, 256], strides = [1, 1]} : vector<42x512xf32> to vector<42x256xf32>
    %slice3A_448 = vector.extract_strided_slice %dot_general3A_446 {offsets = [0, 256], sizes = [42, 256], strides = [1, 1]} : vector<42x512xf32> to vector<42x256xf32>
    %add3A_449 = arith.addf %slice3A_447, %slice3A_448 : vector<42x256xf32>
    %dot_general3A_450 = arith.constant dense<0.000000e+00> : vector<42x512xf32>
    %dot_general3A_451 = tpu.matmul %convert_element_type3A_419, %concatenate3A_424, %dot_general3A_450 {dimension_numbers = #tpu.dot_dimension_numbers<[1], [0], [0], [1], [0, 0, 1, 1], [], []>, transpose_lhs_hint = false} : vector<42x42xbf16>, vector<42x512xbf16>, vector<42x512xf32> -> vector<42x512xf32>
    %slice3A_452 = vector.extract_strided_slice %dot_general3A_451 {offsets = [0, 0], sizes = [42, 256], strides = [1, 1]} : vector<42x512xf32> to vector<42x256xf32>
    %slice3A_453 = vector.extract_strided_slice %dot_general3A_451 {offsets = [0, 256], sizes = [42, 256], strides = [1, 1]} : vector<42x512xf32> to vector<42x256xf32>
    %add3A_454 = arith.addf %slice3A_452, %slice3A_453 : vector<42x256xf32>
    %concatenate3A_455 = tpu.concatenate %add3A_429, %add3A_434, %add3A_439, %add3A_444, %add3A_449, %add3A_454, %mul3A_359 in 1 : vector<42x256xf32>, vector<42x256xf32>, vector<42x256xf32>, vector<42x256xf32>, vector<42x256xf32>, vector<42x256xf32>, vector<42x256xf32> -> vector<42x1792xf32>
    %get3A_456 = arith.constant 0 : index
    %get3A_457 = arith.constant 0 : index
    %get3A_458 = vector.load %arg18[%get3A_456, %get3A_457] : memref<512x1792xf32, #tpu.memory_space<vmem>>, vector<512x1792xf32>
    %dot_general3A_459 = arith.constant dense<0.000000e+00> : vector<42x512xf32>
    %dot_general3A_460 = tpu.matmul %concatenate3A_455, %get3A_458, %dot_general3A_459 {dimension_numbers = #tpu.dot_dimension_numbers<[1], [1], [0], [0], [0, 0, 1, 0], [], []>, transpose_lhs_hint = false} : vector<42x1792xf32>, vector<512x1792xf32>, vector<42x512xf32> -> vector<42x512xf32>
    %get3A_461 = arith.constant 0 : index
    %get3A_462 = vector.load %arg10[%get3A_461] : memref<512xf32, #tpu.memory_space<vmem>>, vector<512xf32>
    %reshape3A_463 = vector.shape_cast %get3A_462 : vector<512xf32> to vector<1x512xf32>
    %add3A_464 = vector.broadcast %reshape3A_463 : vector<1x512xf32> to vector<42x512xf32>
    %add3A_465 = arith.addf %dot_general3A_460, %add3A_464 : vector<42x512xf32>
    %get3A_466 = arith.constant 0 : index
    %get3A_467 = vector.load %arg11[%get3A_466] : memref<512xf32, #tpu.memory_space<vmem>>, vector<512xf32>
    %reshape3A_468 = vector.shape_cast %get3A_467 : vector<512xf32> to vector<1x512xf32>
    %get3A_469 = arith.constant 0 : index
    %get3A_470 = vector.load %arg12[%get3A_469] : memref<512xf32, #tpu.memory_space<vmem>>, vector<512xf32>
    %reshape3A_471 = vector.shape_cast %get3A_470 : vector<512xf32> to vector<1x512xf32>
    %reduce_sum3A_472 = arith.constant dense<0.000000e+00> : vector<512xf32>
    %reduce_sum3A_473 = vector.multi_reduction <add>, %add3A_465, %reduce_sum3A_472 [0] : vector<42x512xf32> to vector<512xf32>
    %broadcast_in_dim3A_474 = vector.shape_cast %reduce_sum3A_473 : vector<512xf32> to vector<1x512xf32>
    %div3A_475 = arith.constant 4.200000e+01 : f32
    %div3A_476 = vector.broadcast %div3A_475 : f32 to vector<1x512xf32>
    %div3A_477 = arith.divf %broadcast_in_dim3A_474, %div3A_476 : vector<1x512xf32>
    %sub3A_478 = vector.broadcast %div3A_477 : vector<1x512xf32> to vector<42x512xf32>
    %sub3A_479 = arith.subf %add3A_465, %sub3A_478 : vector<42x512xf32>
    %mul3A_480 = arith.mulf %sub3A_479, %sub3A_479 : vector<42x512xf32>
    %reduce_sum3A_481 = arith.constant dense<0.000000e+00> : vector<512xf32>
    %reduce_sum3A_482 = vector.multi_reduction <add>, %mul3A_480, %reduce_sum3A_481 [0] : vector<42x512xf32> to vector<512xf32>
    %broadcast_in_dim3A_483 = vector.shape_cast %reduce_sum3A_482 : vector<512xf32> to vector<1x512xf32>
    %div3A_484 = arith.constant 4.200000e+01 : f32
    %div3A_485 = vector.broadcast %div3A_484 : f32 to vector<1x512xf32>
    %div3A_486 = arith.divf %broadcast_in_dim3A_483, %div3A_485 : vector<1x512xf32>
    %add3A_487 = arith.constant 9.99999974E-6 : f32
    %add3A_488 = vector.broadcast %add3A_487 : f32 to vector<1x512xf32>
    %add3A_489 = arith.addf %div3A_486, %add3A_488 : vector<1x512xf32>
    %rsqrt3A_490 = math.rsqrt %add3A_489 : vector<1x512xf32>
    %mul3A_491 = vector.broadcast %rsqrt3A_490 : vector<1x512xf32> to vector<42x512xf32>
    %mul3A_492 = arith.mulf %sub3A_479, %mul3A_491 : vector<42x512xf32>
    %mul3A_493 = vector.broadcast %reshape3A_468 : vector<1x512xf32> to vector<42x512xf32>
    %mul3A_494 = arith.mulf %mul3A_492, %mul3A_493 : vector<42x512xf32>
    %add3A_495 = vector.broadcast %reshape3A_471 : vector<1x512xf32> to vector<42x512xf32>
    %add3A_496 = arith.addf %mul3A_494, %add3A_495 : vector<42x512xf32>
    %ge3A_497 = arith.constant 0.000000e+00 : f32
    %ge3A_498 = vector.broadcast %ge3A_497 : f32 to vector<42x512xf32>
    %ge3A_499 = arith.cmpf oge, %add3A_496, %ge3A_498 : vector<42x512xf32>
    %mul3A_500 = arith.constant 2.000000e-01 : f32
    %mul3A_501 = vector.broadcast %mul3A_500 : f32 to vector<42x512xf32>
    %mul3A_502 = arith.mulf %mul3A_501, %add3A_496 : vector<42x512xf32>
    %select_n3A_503 = arith.select %ge3A_499, %add3A_496, %mul3A_502 : vector<42x512xi1>, vector<42x512xf32>
    %convert_element_type3A_504 = arith.truncf %select_n3A_503 : vector<42x512xf32> to vector<42x512xbf16>
    %convert_element_type3A_505 = arith.extf %convert_element_type3A_504 : vector<42x512xbf16> to vector<42x512xf32>
    %sub3A_506 = arith.subf %select_n3A_503, %convert_element_type3A_505 : vector<42x512xf32>
    %convert_element_type3A_507 = arith.truncf %sub3A_506 : vector<42x512xf32> to vector<42x512xbf16>
    %concatenate3A_508 = tpu.concatenate %convert_element_type3A_504, %convert_element_type3A_507 in 1 : vector<42x512xbf16>, vector<42x512xbf16> -> vector<42x1024xbf16>
    %slice3A_509 = vector.extract_strided_slice %convert_element_type3A_369 {offsets = [0, 0], sizes = [12, 42], strides = [1, 1]} : vector<42x42xbf16> to vector<12x42xbf16>
    %dot_general3A_510 = arith.constant dense<0.000000e+00> : vector<12x1024xf32>
    %dot_general3A_511 = tpu.matmul %slice3A_509, %concatenate3A_508, %dot_general3A_510 {dimension_numbers = #tpu.dot_dimension_numbers<[1], [0], [0], [1], [0, 0, 1, 1], [], []>, transpose_lhs_hint = false} : vector<12x42xbf16>, vector<42x1024xbf16>, vector<12x1024xf32> -> vector<12x1024xf32>
    %slice3A_512 = vector.extract_strided_slice %dot_general3A_511 {offsets = [0, 0], sizes = [12, 512], strides = [1, 1]} : vector<12x1024xf32> to vector<12x512xf32>
    %slice3A_513 = vector.extract_strided_slice %dot_general3A_511 {offsets = [0, 512], sizes = [12, 512], strides = [1, 1]} : vector<12x1024xf32> to vector<12x512xf32>
    %add3A_514 = arith.addf %slice3A_512, %slice3A_513 : vector<12x512xf32>
    %slice3A_515 = vector.extract_strided_slice %convert_element_type3A_379 {offsets = [0, 0], sizes = [12, 42], strides = [1, 1]} : vector<42x42xbf16> to vector<12x42xbf16>
    %dot_general3A_516 = arith.constant dense<0.000000e+00> : vector<12x1024xf32>
    %dot_general3A_517 = tpu.matmul %slice3A_515, %concatenate3A_508, %dot_general3A_516 {dimension_numbers = #tpu.dot_dimension_numbers<[1], [0], [0], [1], [0, 0, 1, 1], [], []>, transpose_lhs_hint = false} : vector<12x42xbf16>, vector<42x1024xbf16>, vector<12x1024xf32> -> vector<12x1024xf32>
    %slice3A_518 = vector.extract_strided_slice %dot_general3A_517 {offsets = [0, 0], sizes = [12, 512], strides = [1, 1]} : vector<12x1024xf32> to vector<12x512xf32>
    %slice3A_519 = vector.extract_strided_slice %dot_general3A_517 {offsets = [0, 512], sizes = [12, 512], strides = [1, 1]} : vector<12x1024xf32> to vector<12x512xf32>
    %add3A_520 = arith.addf %slice3A_518, %slice3A_519 : vector<12x512xf32>
    %slice3A_521 = vector.extract_strided_slice %convert_element_type3A_389 {offsets = [0, 0], sizes = [12, 42], strides = [1, 1]} : vector<42x42xbf16> to vector<12x42xbf16>
    %dot_general3A_522 = arith.constant dense<0.000000e+00> : vector<12x1024xf32>
    %dot_general3A_523 = tpu.matmul %slice3A_521, %concatenate3A_508, %dot_general3A_522 {dimension_numbers = #tpu.dot_dimension_numbers<[1], [0], [0], [1], [0, 0, 1, 1], [], []>, transpose_lhs_hint = false} : vector<12x42xbf16>, vector<42x1024xbf16>, vector<12x1024xf32> -> vector<12x1024xf32>
    %slice3A_524 = vector.extract_strided_slice %dot_general3A_523 {offsets = [0, 0], sizes = [12, 512], strides = [1, 1]} : vector<12x1024xf32> to vector<12x512xf32>
    %slice3A_525 = vector.extract_strided_slice %dot_general3A_523 {offsets = [0, 512], sizes = [12, 512], strides = [1, 1]} : vector<12x1024xf32> to vector<12x512xf32>
    %add3A_526 = arith.addf %slice3A_524, %slice3A_525 : vector<12x512xf32>
    %slice3A_527 = vector.extract_strided_slice %convert_element_type3A_399 {offsets = [0, 0], sizes = [12, 42], strides = [1, 1]} : vector<42x42xbf16> to vector<12x42xbf16>
    %dot_general3A_528 = arith.constant dense<0.000000e+00> : vector<12x1024xf32>
    %dot_general3A_529 = tpu.matmul %slice3A_527, %concatenate3A_508, %dot_general3A_528 {dimension_numbers = #tpu.dot_dimension_numbers<[1], [0], [0], [1], [0, 0, 1, 1], [], []>, transpose_lhs_hint = false} : vector<12x42xbf16>, vector<42x1024xbf16>, vector<12x1024xf32> -> vector<12x1024xf32>
    %slice3A_530 = vector.extract_strided_slice %dot_general3A_529 {offsets = [0, 0], sizes = [12, 512], strides = [1, 1]} : vector<12x1024xf32> to vector<12x512xf32>
    %slice3A_531 = vector.extract_strided_slice %dot_general3A_529 {offsets = [0, 512], sizes = [12, 512], strides = [1, 1]} : vector<12x1024xf32> to vector<12x512xf32>
    %add3A_532 = arith.addf %slice3A_530, %slice3A_531 : vector<12x512xf32>
    %slice3A_533 = vector.extract_strided_slice %convert_element_type3A_409 {offsets = [0, 0], sizes = [12, 42], strides = [1, 1]} : vector<42x42xbf16> to vector<12x42xbf16>
    %dot_general3A_534 = arith.constant dense<0.000000e+00> : vector<12x1024xf32>
    %dot_general3A_535 = tpu.matmul %slice3A_533, %concatenate3A_508, %dot_general3A_534 {dimension_numbers = #tpu.dot_dimension_numbers<[1], [0], [0], [1], [0, 0, 1, 1], [], []>, transpose_lhs_hint = false} : vector<12x42xbf16>, vector<42x1024xbf16>, vector<12x1024xf32> -> vector<12x1024xf32>
    %slice3A_536 = vector.extract_strided_slice %dot_general3A_535 {offsets = [0, 0], sizes = [12, 512], strides = [1, 1]} : vector<12x1024xf32> to vector<12x512xf32>
    %slice3A_537 = vector.extract_strided_slice %dot_general3A_535 {offsets = [0, 512], sizes = [12, 512], strides = [1, 1]} : vector<12x1024xf32> to vector<12x512xf32>
    %add3A_538 = arith.addf %slice3A_536, %slice3A_537 : vector<12x512xf32>
    %slice3A_539 = vector.extract_strided_slice %convert_element_type3A_419 {offsets = [0, 0], sizes = [12, 42], strides = [1, 1]} : vector<42x42xbf16> to vector<12x42xbf16>
    %dot_general3A_540 = arith.constant dense<0.000000e+00> : vector<12x1024xf32>
    %dot_general3A_541 = tpu.matmul %slice3A_539, %concatenate3A_508, %dot_general3A_540 {dimension_numbers = #tpu.dot_dimension_numbers<[1], [0], [0], [1], [0, 0, 1, 1], [], []>, transpose_lhs_hint = false} : vector<12x42xbf16>, vector<42x1024xbf16>, vector<12x1024xf32> -> vector<12x1024xf32>
    %slice3A_542 = vector.extract_strided_slice %dot_general3A_541 {offsets = [0, 0], sizes = [12, 512], strides = [1, 1]} : vector<12x1024xf32> to vector<12x512xf32>
    %slice3A_543 = vector.extract_strided_slice %dot_general3A_541 {offsets = [0, 512], sizes = [12, 512], strides = [1, 1]} : vector<12x1024xf32> to vector<12x512xf32>
    %add3A_544 = arith.addf %slice3A_542, %slice3A_543 : vector<12x512xf32>
    %slice3A_545 = vector.extract_strided_slice %select_n3A_503 {offsets = [0, 0], sizes = [12, 512], strides = [1, 1]} : vector<42x512xf32> to vector<12x512xf32>
    %concatenate3A_546 = tpu.concatenate %add3A_514, %add3A_520, %add3A_526, %add3A_532, %add3A_538, %add3A_544, %slice3A_545 in 1 : vector<12x512xf32>, vector<12x512xf32>, vector<12x512xf32>, vector<12x512xf32>, vector<12x512xf32>, vector<12x512xf32>, vector<12x512xf32> -> vector<12x3584xf32>
    %iota3A_547 = tpu.iota {dimensions = array<i32: 0>} : vector<3584x512xi32>
    %iota3A_548 = tpu.iota {dimensions = array<i32: 1>} : vector<3584x512xi32>
    %mul3A_549 = arith.constant 7 : i32
    %mul3A_550 = vector.broadcast %mul3A_549 : i32 to vector<3584x512xi32>
    %mul3A_551 = arith.muli %iota3A_548, %mul3A_550 : vector<3584x512xi32>
    %sub3A_552 = arith.subi %iota3A_547, %mul3A_551 : vector<3584x512xi32>
    %lt3A_553 = arith.constant 7 : i32
    %lt3A_554 = vector.broadcast %lt3A_553 : i32 to vector<3584x512xi32>
    %lt3A_555 = arith.cmpi ult, %sub3A_552, %lt3A_554 : vector<3584x512xi32>
    %jit3A_556 = arith.constant 1.000000e+00 : f32
    %jit3A_557 = arith.constant 0.000000e+00 : f32
    %broadcast_in_dim3A_558 = vector.broadcast %jit3A_556 : f32 to vector<3584x512xf32>
    %broadcast_in_dim3A_559 = vector.broadcast %jit3A_557 : f32 to vector<3584x512xf32>
    %select_n3A_560 = arith.select %lt3A_555, %broadcast_in_dim3A_558, %broadcast_in_dim3A_559 : vector<3584x512xi1>, vector<3584x512xf32>
    %dot_general3A_561 = arith.constant dense<0.000000e+00> : vector<12x512xf32>
    %dot_general3A_562 = tpu.matmul %concatenate3A_546, %select_n3A_560, %dot_general3A_561 {dimension_numbers = #tpu.dot_dimension_numbers<[1], [0], [0], [1], [0, 0, 1, 1], [], []>, transpose_lhs_hint = false} : vector<12x3584xf32>, vector<3584x512xf32>, vector<12x512xf32> -> vector<12x512xf32>
    %mul3A_563 = arith.constant 0.142857149 : f32
    %mul3A_564 = vector.broadcast %mul3A_563 : f32 to vector<12x512xf32>
    %mul3A_565 = arith.mulf %dot_general3A_562, %mul3A_564 : vector<12x512xf32>
    %get3A_566 = arith.constant 0 : index
    %get3A_567 = arith.constant 0 : index
    %get3A_568 = vector.load %arg13[%get3A_566, %get3A_567] : memref<1x512xf32, #tpu.memory_space<vmem>>, vector<1x512xf32>
    %mul3A_569 = vector.broadcast %get3A_568 : vector<1x512xf32> to vector<12x512xf32>
    %mul3A_570 = arith.mulf %mul3A_565, %mul3A_569 : vector<12x512xf32>
    %reduce_sum3A_571 = vector.shape_cast %mul3A_570 : vector<12x512xf32> to vector<1x12x512xf32>
    %reduce_sum3A_572 = arith.constant dense<0.000000e+00> : vector<1xf32>
    %reduce_sum3A_573 = vector.multi_reduction <add>, %reduce_sum3A_571, %reduce_sum3A_572 [1, 2] : vector<1x12x512xf32> to vector<1xf32>
    %reduce_sum3A_574 = vector.shape_cast %reduce_sum3A_573 : vector<1xf32> to vector<1x1x1xf32>
    %reduce_sum3A_575 = vector.extract %reduce_sum3A_574[0, 0, 0] : f32 from vector<1x1x1xf32>
    %mul3A_576 = arith.constant 0.0833333358 : f32
    %mul3A_577 = arith.mulf %reduce_sum3A_575, %mul3A_576 : f32
    %get3A_578 = arith.constant 0 : index
    %get3A_579 = memref.load %arg14[%get3A_578] : memref<1xf32, #tpu.memory_space<smem>>
    %add3A_580 = arith.addf %mul3A_577, %get3A_579 : f32
    %broadcast_in_dim3A_581 = vector.broadcast %add3A_580 : f32 to vector<1x1xf32>
    %neg3A = arith.constant 0.000000e+00 : f32
    %neg3A_582 = vector.broadcast %neg3A : f32 to vector<1x1xf32>
    %neg3A_583 = arith.subf %neg3A_582, %broadcast_in_dim3A_581 : vector<1x1xf32>
    %exp3A = math.exp %neg3A_583 : vector<1x1xf32>
    %add3A_584 = arith.constant 1.000000e+00 : f32
    %add3A_585 = vector.broadcast %add3A_584 : f32 to vector<1x1xf32>
    %add3A_586 = arith.addf %add3A_585, %exp3A : vector<1x1xf32>
    %div3A_587 = arith.constant 1.000000e+00 : f32
    %div3A_588 = vector.broadcast %div3A_587 : f32 to vector<1x1xf32>
    %div3A_589 = arith.divf %div3A_588, %add3A_586 : vector<1x1xf32>
    %swap3A = arith.constant 0 : index
    %swap3A_590 = arith.constant 0 : index
    %swap3A_591 = vector.load %arg16[%swap3A, %swap3A_590] : memref<1x1xf32, #tpu.memory_space<vmem>>, vector<1x1xf32>
    tpu.vector_store %arg16[%swap3A, %swap3A_590], %div3A_589 {strides = array<i32>} : memref<1x1xf32, #tpu.memory_space<vmem>>, vector<1x1xf32>,
    return
  }
}

</mosaic_0001>

<sc_bundles>
// kernel: kernel.4.cloned.1.call-start
scs
__scs_entry_jumppad:
0x0: {  	(pc) =	sbr.rel $0x88, $3  }
0x1: {  	(tag) =	ssettag $0x0;
	lr =	simm.s32 $0x1  }
0x2: {  	[smem:$0x3F8F] =	sst lr;
	_ =	strace $0xD0000000  }
0x3: {  	_ = 	snop  }
0x4: {  	_ = 	snop  }
0x5: {  	_ = 	snop  }
0x6: {  	_ = 	snop  }
0x7: {  	_ = 	snop  }
__scs_overlays_trampoline_lowered:
0x8: {  	[smem:$0x3F9E] =	sst s0  }
0x9: {  	[smem:$0x3F9F] =	sst s1  }
0xa: {  	[smem:$0x3FA0] =	sst s2  }
0xb: {  	[smem:$0x3FA1] =	sst s3  }
0xc: {  	[smem:$0x3FA2] =	sst s4  }
0xd: {  	[smem:$0x3FA3] =	sst s5  }
0xe: {  	[smem:$0x3FA4] =	sst s6  }
0xf: {  	[smem:$0x3FA5] =	sst s7  }
0x10: {  	[smem:$0x3FA6] =	sst s8  }
0x11: {  	[smem:$0x3FA7] =	sst s9;
	s0 =	simm.s32 @!p0 $0x0  }
0x12: {  	s1 =	sld [smem:$0x3F8D];
	s0 =	simm.s32 @p0 $0x1  }
0x13: {  	[smem:$0x3FA8] =	sst s0;
	s0 =	simm.s32 @!p1 $0x0  }
0x14: {  	s2 =	sld [smem:$0x3F8C];
	s0 =	simm.s32 @p1 $0x1  }
0x15: {  	[smem:$0x3FA9] =	sst s0;
	s0 =	simm.s32 @!p2 $0x0  }
0x16: {  	s3 =	sld [smem:$0x3FDB];
	s0 =	simm.s32 @p2 $0x1  }
0x17: {  	s4 =	simm.s32 $0x1BF5;
	[smem:$0x3FAB] =	sst s0  }
0x18: {  	s0 =	sld [smem:$0x3F8E];
	_ =	swait.ge [sflag:s4], $0x0  }
0x19: {  	s7 =	sld [smem:$0x3F8F]  }
0x1a: {  	s8 =	sadd.s32 $0xFFFFE003, lr  }
0x1b: {  	s9 =	sadd.s32 $0xFFFFFEF7, lr;
	s5 =	simm.s32 $0xFFFFFFFF;
	p2 =	slt.u32 s8, $0xFFFFF086  }
0x1c: {  	p1 =	slt.u32 s9, $0xF7A;
	s5 =	simm.s32 @!p2 $0x0  }
0x1d: {  	s5 =	simm.s32 @p1 $0x1;
	p0 =	seq.s32 s7, s2  }
0x1e: {  	s7 =	smul.u32 @!p0 $0xF7A, s2;
	p2 =	seq.s32 @!p0 s5, $0x0  }
0x1f: {  	s9 =	smul.u32 $0xF7A, s1;
	s8 =	simm.s32 @!p0 $0x1BF5;
	p2 =	por !p2, p0  }
0x20: {  	[sflag:s8] =	ssyncset.s32 @!p0 $0xFFFFF086;
	s6 =	sadd.s32 @!p0 s3, s7;
	s7 =	simm.s32 @!p0 $0x108  }
0x21: {  	s3 =	sadd.s32 s3, s9;
	s6 =	sadd.s32 @!p0 $0x88, s6;
	s7 =	simm.s32 @p2 $0x1082  }
0x22: {  	[simem:s7], [sflag:s8] =	dma.local @!p0 [hbm:s6], $0xF7A  }
0x23: {  	s9 =	sor.u32 $0xD0000000, s2;
	s6 =	simm.s32 $0x108;
	_ =	swait.ge @!p0 [sflag:s8], $0x0  }
0x24: {  	s3 =	sadd.s32 $0x88, s3;
	s6 =	simm.s32 @!p1 $0x1082;
	[sflag:s4] =	ssyncset.s32 $0xFFFFF086  }
0x25: {  	[simem:s6], [sflag:s4] =	dma.local [hbm:s3], $0xF7A  }
0x26: {  	[smem:$0x3F8F] =	sst s1;
	(tag) =	ssettag s2;
	_ =	strace s9  }
0x27: {  	s1 =	sld [smem:$0x3F9F]  }
0x28: {  	s2 =	sld [smem:$0x3FA0]  }
0x29: {  	s4 =	sld [smem:$0x3FA2]  }
0x2a: {  	p0 =	seq.s32 s5, $0x0;
	s5 =	sld [smem:$0x3FA3]  }
0x2b: {  	s6 =	sld [smem:$0x3FA4]  }
0x2c: {  	s7 =	sld [smem:$0x3FA5]  }
0x2d: {  	s3 =	simm.s32 $0x108;
	s8 =	sld [smem:$0x3FA6]  }
0x2e: {  	s3 =	simm.s32 @!p0 $0x1082;
	s9 =	sld [smem:$0x3FA7]  }
0x2f: {  	lr =	sadd.s32 s0, s3;
	s0 =	sld [smem:$0x3F9E]  }
0x30: {  	s3 =	sld [smem:$0x3FA1]  }
0x31: {  	[smem:$0x3FAA] =	sst s10  }
0x32: {  	s10 =	sld [smem:$0x3FA8];
	_ =	sdelay $0x3  }
0x33: {  	p0 =	seq.s32 s10, $0x1;
	s10 =	sld [smem:$0x3FAA];
	_ =	sdelay $0x3  }
0x34: {  	[smem:$0x3FAA] =	sst s10  }
0x35: {  	s10 =	sld [smem:$0x3FA9];
	_ =	sdelay $0x3  }
0x36: {  	p1 =	seq.s32 s10, $0x1;
	s10 =	sld [smem:$0x3FAA];
	_ =	sdelay $0x3  }
0x37: {  	[smem:$0x3FAA] =	sst s10  }
0x38: {  	s10 =	sld [smem:$0x3FAB]  }
0x39: {  	_ = 	snop;
	(pc) =	sbr.ind lr, $3  }
0x3a: {  	_ = 	snop  }
0x3b: {  	_ = 	snop  }
0x3c: {  	p2 =	seq.s32 s10, $0x1;
	s10 =	sld [smem:$0x3FAA]  }
0x3d: {  	_ =	shalt  }
0x3e: {  	_ =	shalt  }
0x3f: {  	_ =	shalt  }
0x40: {  	_ =	shalt  }
0x41: {  	_ =	shalt  }
0x42: {  	_ =	shalt  }
0x43: {  	_ =	shalt  }
0x44: {  	_ =	shalt  }
0x45: {  	_ =	shalt  }
0x46: {  	_ =	shalt  }
0x47: {  	_ =	shalt  }
0x48: {  	_ =	shalt  }
0x49: {  	_ =	shalt  }
0x4a: {  	_ =	shalt  }
0x4b: {  	_ =	shalt  }
0x4c: {  	_ =	shalt  }
0x4d: {  	_ =	shalt  }
0x4e: {  	_ =	shalt  }
0x4f: {  	_ =	shalt  }
0x50: {  	_ =	shalt  }
0x51: {  	_ =	shalt  }
0x52: {  	_ =	shalt  }
0x53: {  	_ =	shalt  }
0x54: {  	_ =	shalt  }
0x55: {  	_ =	shalt  }
0x56: {  	_ =	shalt  }
0x57: {  	_ =	shalt  }
0x58: {  	_ =	shalt  }
0x59: {  	_ =	shalt  }
0x5a: {  	_ =	shalt  }
0x5b: {  	_ =	shalt  }
0x5c: {  	_ =	shalt  }
0x5d: {  	_ =	shalt  }
0x5e: {  	_ =	shalt  }
0x5f: {  	_ =	shalt  }
0x60: {  	_ =	shalt  }
0x61: {  	_ =	shalt  }
0x62: {  	_ =	shalt  }
0x63: {  	_ =	shalt  }
0x64: {  	_ =	shalt  }
0x65: {  	_ =	shalt  }
0x66: {  	_ =	shalt  }
0x67: {  	_ =	shalt  }
0x68: {  	_ =	shalt  }
0x69: {  	_ =	shalt  }
0x6a: {  	_ =	shalt  }
0x6b: {  	_ =	shalt  }
0x6c: {  	_ =	shalt  }
0x6d: {  	_ =	shalt  }
0x6e: {  	_ =	shalt  }
0x6f: {  	_ =	shalt  }
0x70: {  	_ =	shalt  }
0x71: {  	_ =	shalt  }
0x72: {  	_ =	shalt  }
0x73: {  	_ =	shalt  }
0x74: {  	_ =	shalt  }
0x75: {  	_ =	shalt  }
0x76: {  	_ =	shalt  }
0x77: {  	_ =	shalt  }
0x78: {  	_ =	shalt  }
0x79: {  	_ =	shalt  }
0x7a: {  	_ =	shalt  }
0x7b: {  	_ =	shalt  }
0x7c: {  	_ =	shalt  }
0x7d: {  	_ =	shalt  }
0x7e: {  	_ =	shalt  }
0x7f: {  	_ =	shalt  }
0x80: {  	_ =	shalt  }
0x81: {  	_ =	shalt  }
0x82: {  	_ =	shalt  }
0x83: {  	_ =	shalt  }
0x84: {  	_ =	shalt  }
0x85: {  	_ =	shalt  }
0x86: {  	_ =	shalt  }
0x87: {  	_ =	shalt  }
.Lfunc_end0:
.L_simem_size_0:
called_computation_lowered:
.L_overlay_start_0:
0x88: {  	s2 =	sld [smem:$0x3FD9]  }
0x89: {  	s3 =	sld [smem:$0x3FFE];
	_ =	sdelay $0x1  }
0x8a: {  	s1 =	srdreg.scid  }
0x8b: {  	s0 =	sand.u32 $0x1, s1  }
0x8c: {  	s16 =	sshll.u32 s0, $0xA;
	s2 =	sadd.s32 s3, s2  }
0x8d: {  	s2 =	sadd.s32 s2, s16  }
0x8e: {  	[smem:$0x3FB6] =	sst s2  }
0x8f: {  	_ = 	snop  }
0x90: {  	(tm) =	ssettm $0x1  }
0x91: {  	s17 =	sld [smem:$0x3FFB];
	_ =	sdelay $0x3  }
0x92: {  	_ =	strace s17  }
0x93: {  	s2 =	sld [smem:$0x3FFC];
	_ =	sdelay $0x3  }
0x94: {  	_ =	strace s2  }
0x95: {  	s2 =	sld [smem:$0x3FFD];
	_ =	sdelay $0x3  }
0x96: {  	_ =	strace s2  }
0x97: {  	_ =	strace $0x8FFFFFFF  }
0x98: {  	s18 =	sld [smem:$0x3FDB];
	_ =	sdelay $0x1  }
0x99: {  	s19 =	simm.s32 $_scs_section_size  }
0x9a: {  	s4 =	simm.s32 $_size__tile_overlayer_lowered;
	s5 =	simm.s32 $_tile_overlayer_lowered  }
0x9b: {  	s22 =	simm.s32 $0x1BFF;
	s21 =	sshll.u32 s5, $0x1;
	s2 =	sadd.s32 s19, s18  }
0x9c: {  	s6 =	simm.s32 $0x0;
	s20 =	sshll.u32 s4, $0x1;
	s4 =	sadd.s32 s21, s2  }
0x9d: {  	[timem:s6], [sflag:s22] =	dma.local [hbm:s4], s20  }
0x9e: {  	_ =	swait.ge [sflag:s22], s20  }
0x9f: {  	s3 =	ssub.s32 $0x0, s20;
	[sflag:s22] =	ssyncset.done $0x0  }
0xa0: {  	[sflag:s22] =	ssyncadd.s32 s3;
	_ =	sdelay $0x1  }
0xa1: {  	s23 =	simm.s32 $0x1B8B  }
0xa2: {  	_ =	swait.ge [sflag:s23], $0x1  }
0xa3: {  	[sflag:s23] =	ssyncset.done $0x0  }
0xa4: {  	s25 =	simm.s32 $0x1B8E;
	s24 =	sld [smem:$0x3FFE];
	[sflag:s23] =	ssyncadd.s32 $0xFFFFFFFF  }
0xa5: {  	s26 =	simm.s32 $execute0_lowered;
	[smem:$0x3FD2] =	sst s25  }
0xa6: {  	s4 =	sshll.u32 s26, $0x1;
	_ =	strace $0x80000046;
	[dreg:$0x1] =	wrdreg $0xFFFFFFFF  }
0xa7: {  	s28 =	simm.s32 $_size_execute0_lowered;
	s2 =	sadd.s32 s2, s4;
	[dreg:$0x0] =	wrdreg $0x0  }
0xa8: {  	s4 =	sshll.u32 s28, $0x1;
	[dreg:$0x2] =	wrdreg s2  }
0xa9: {  	[dreg:$0x3] =	wrdreg s4  }
0xaa: {  	[dreg:$0x4] =	wrdreg $0xC0  }
0xab: {  	_ =	task [dreg:s6], $0x5FFFF  }
0xac: {  	[dreg:$0x1] =	wrdreg $0xFFFFFFFF  }
0xad: {  	[dreg:$0x0] =	wrdreg $0x60  }
0xae: {  	[dreg:$0x2] =	wrdreg s24  }
0xaf: {  	[dreg:$0x3] =	wrdreg $0x9  }
0xb0: {  	_ =	task.clear_ibuf [dreg:s6], $0x4FFFF;
	_ =	strace $0x90000046  }
0xb1: {  	s29 =	simm.s32 $0x9;
	_ =	strace $0x80000048  }
0xb2: {  	_ =	swait.ge [sflag:s29], $0x1  }
0xb3: {  	[sflag:s29] =	ssyncadd.s32 $0xFFFFFFFF  }
0xb4: {  	_ =	strace $0x90000048  }
0xb5: {  	_ =	sfence  }
0xb6: {  	s30 =	sld [smem:$0x0];
	_ =	sdelay $0x2  }
0xb7: {  	s31 =	sshll.u32 s1, $0xD;
	s1 =	sshrl.u32 s1, $0x2  }
0xb8: {  	s3 =	sand.u32 $0x4000, s31;
	s1 =	sadd.s32 s1, s30  }
0xb9: {  	s0 =	sor.u32 s3, s0;
	s1 =	sshll.u32 s1, $0x11  }
0xba: {  	s0 =	sor.u32 s1, s0  }
0xbb: {  	s0 =	sadd.s32 $0x8F2B, s0  }
0xbc: {  	[sflag:s0] =	ssyncadd.remote.s32 $0x1  }
0xbd: {  	_ =	sfence.sel $0xFFFF  }
0xbe: {  	[dreg:$0x0] =	wrdreg $0xFFFFFFFF;
	(pc) =	sbr.abs _section_cstart, $3  }
0xbf: {  	[dreg:$0x1] =	wrdreg $0xFFFFFFFF  }
0xc0: {  	_ =	task.clear_ibuf [dreg:s6], $0x2FFFF;
	_ =	strace $0x9FFFFFFF  }
0xc1: {  	(tm) =	ssettm $0x7FFFFFFF  }
tec
execute0_lowered:
.L_overlay_start_1:
0x0: {  	(tag) =	ssettag $0x1  }
0x1: {  	s1 =	srdreg.scid;
	s0 =	stileid.u32  }
0x2: {  	s9 =	sand.u32 $0x1, s1;
	s30 =	sshll.u32 s0, $0x1  }
0x3: {  	s10 =	sor.u32 s9, s30  }
0x4: {  	s11 =	rddreg [dreg:$0x0];
	s3 =	smul.u32 $0x12, s10  }
0x5: {  	s2 =	simm.s32 $0x0;
	s1 =	rddreg [dreg:$0x1]  }
0x6: {  	[smem:$0x7FF] =	sst s2;
	s3 =	sadd.s32 s3, s11  }
0x7: {  	_ =	strace $0x80000047;
	s4 =	sadd.s32 $0x4E00, s3;
	s3 =	simm.s32 $0x2  }
0x8: {  	[tilespmem:s2], [sflag:$0x2] =	stream.linear.gather [hbm4b:s4+s2], $0x90, $0x38;
	[tilespmem:$0x4900] =	vst v63  }
0x9: {  	s6 =	simm.s32 $0x48;
	_ =	swait.ge [sflag:s3], $0x90  }
0xa: {  	s7 =	simm.s32 $0x100;
	s8 =	simm.s32 $0x1;
	[sflag:s3] =	ssyncset.done $0x0  }
0xb: {  	s5 =	sadd.s32 $0x2400, s11;
	s12 =	ssub.s32 $0x2, s9;
	[sflag:s3] =	ssyncadd.s32 $0xFFFFFF70  }
0xc: {  	[tilespmem:s7], [sflag:$0x1] =	stream.indirect.gather [hbm4b:s5+s6], $0x80, s2, s6, $0xb8;
	[tilespmem:$0x4900] =	vst v63  }
0xd: {  	s10 =	smul.u32 $0x900, s10;
	s13 =	sshrl.u32 s12, $0x1;
	_ =	swait.ge [sflag:s8], $0x2400  }
0xe: {  	s9 =	simm.s32 $0x2500;
	s31 =	ssub.s32 s12, s13;
	[sflag:s8] =	ssyncset.done $0x0  }
0xf: {  	s10 =	sadd.s32 s10, s11;
	s11 =	smax.u32 s31, $0x1;
	[sflag:s8] =	ssyncadd.s32 $0xFFFFDC00  }
0x10: {  	[tilespmem:s9], [sflag:$0x1] =	stream.indirect.gather [hbm4b:s5+s6], $0x80, s6, s6, $0xb8;
	[tilespmem:$0x4900] =	vst v63  }
0x11: {  	p0 =	sne.s32 s11, $0x1;
	_ =	swait.ge [sflag:s8], $0x2400  }
.Ltmp0:
0x12: {  	[sflag:s8] =	ssyncset.done $0x0;
	(pc) =	sbr.rel @!p0 .LBB2_2-.Ltmp0, $4  }
0x13: {  	s10 =	sadd.s32 $0x5200, s10;
	[sflag:s8] =	ssyncadd.s32 $0xFFFFDC00  }
0x14: {  	[hbm4b:s10+s2] =	stream.linear.scatter [tilespmem:s7], [sflag:$0x2], $0x4800, $0x38;
	[tilespmem:$0x4900] =	vst v63  }
0x15: {  	_ =	swait.ge [sflag:s3], $0x4800  }
0x16: {  	s11 =	sadd.s32 $0xFFFFFFFF, s11;
	[sflag:s3] =	ssyncset.done $0x0  }
.LBB2_1:
0x17: {  	p0 =	sne.s32 s11, $0x1;
	s11 =	sadd.s32 $0xFFFFFFFF, s11;
	[sflag:s3] =	ssyncadd.s32 $0xFFFFB800  }
0x18: {  	[tilespmem:s2], [sflag:$0x2] =	stream.linear.gather [hbm4b:s4+s2], $0x90, $0x38;
	[tilespmem:$0x4900] =	vst v63  }
0x19: {  	_ =	swait.ge [sflag:s3], $0x90  }
0x1a: {  	[sflag:s3] =	ssyncset.done $0x0  }
0x1b: {  	[sflag:s3] =	ssyncadd.s32 $0xFFFFFF70  }
0x1c: {  	[tilespmem:s7], [sflag:$0x1] =	stream.indirect.gather [hbm4b:s5+s6], $0x80, s2, s6, $0xb8;
	[tilespmem:$0x4900] =	vst v63  }
0x1d: {  	_ =	swait.ge [sflag:s8], $0x2400  }
0x1e: {  	[sflag:s8] =	ssyncset.done $0x0  }
0x1f: {  	[sflag:s8] =	ssyncadd.s32 $0xFFFFDC00  }
0x20: {  	[tilespmem:s9], [sflag:$0x1] =	stream.indirect.gather [hbm4b:s5+s6], $0x80, s6, s6, $0xb8;
	[tilespmem:$0x4900] =	vst v63  }
0x21: {  	_ =	swait.ge [sflag:s8], $0x2400  }
.Ltmp1:
0x22: {  	[sflag:s8] =	ssyncset.done $0x0;
	(pc) =	sbr.rel @p0 .LBB2_1-.Ltmp1, $4  }
0x23: {  	[sflag:s8] =	ssyncadd.s32 $0xFFFFDC00  }
0x24: {  	[hbm4b:s10+s2] =	stream.linear.scatter [tilespmem:s7], [sflag:$0x2], $0x4800, $0x38;
	[tilespmem:$0x4900] =	vst v63  }
0x25: {  	_ =	swait.ge [sflag:s3], $0x4800  }
0x26: {  	[sflag:s3] =	ssyncset.done $0x0  }
.LBB2_2:
0x27: {  	[sflag:s3] =	ssyncadd.s32 $0xFFFFB800  }
0x28: {  	_ =	sfence.sel $0x180000  }
0x29: {  	[bflag:$0x0] =	sbarrier.arrive $0xFFFF  }
0x2a: {  	p0 =	sne.s32 s0, $0x0;
	_ =	strace $0x90000047  }
0x2b: {  	s0 =	sadd.s32 @!p0 $0x100000, s1;
	[bflag:$0x2] =	sbarrier.arrive $0xFFFF  }
0x2c: {  	[sflag:s0] =	ssyncadd.tile.s32 @!p0 $0x1;
	_ =	shalt  }
.Lfunc_end2:
_tile_overlayer_lowered:
.L_overlay_start_2:
0x2d: {  	(tag) =	ssettag $0x2  }
0x2e: {  	s0 =	rddreg [dreg:$0x0];
	s2 =	stileid.u32  }
0x2f: {  	s1 =	rddreg [dreg:$0x1];
	p0 =	sne.s32 s2, $0x0  }
0x30: {  	s3 =	rddreg [dreg:$0x2];
	[bflag:$0x3] =	sbarrier.arrive $0xFFFF;
	s2 =	simm.s32 @!p0 $0x1C02  }
0x31: {  	[timem:s3], [sflag:s2] =	dma.local @!p0 [hbm:s0], s1  }
0x32: {  	s0 =	simm.s32 @!p0 $0x2  }
0x33: {  	_ =	swait.ge @!p0 [sflag:s0], s1  }
0x34: {  	s1 =	ssub.s32 @!p0 $0x0, s1;
	[sflag:s0] =	ssyncset.done @!p0 $0x0  }
0x35: {  	[sflag:s0] =	ssyncadd.s32 @!p0 s1  }
0x36: {  	[bflag:$0x3] =	sbarrier.arrive $0xFFFF  }
0x37: {  	_ =	shalt  }

</sc_bundles>
